<compile_context>
chip_gen: v7x
topology: tpu7x:2x2x1
jax: 0.10.2.dev20260603
libtpu: 0.0.44.dev20260713+nightly
codegen_flags: <defaults>
</compile_context>

<pallas_src>
import functools

import jax
import jax.numpy as jnp
from jax import lax
from jax.experimental import pallas as pl
from jax.experimental.pallas import tpu as pltpu
from jax.experimental.pallas import tpu_sc as plsc

N = 10000
D = 256
LANE = 128
CHUNK = 128
TILES = 16
NP = 10240
NPB = 10048
TRASH = NPB - N
NT = NP

JITTER = 1e-20


def _edge_layout(E):
    ep = ((E + 32 * CHUNK - 1) // (32 * CHUNK)) * (32 * CHUNK)
    return ep, ep // CHUNK



_QROWS = NP // LANE



def _scatter_body(nch_t, g4_hbm, srcs_hbm, dst_hbm, out_hbm,
                  src_v, dst_v, buf0, buf1, acc, sem0, sem1):
    cid = lax.axis_index("c")
    sid = lax.axis_index("s")
    rows_t = 624
    tail = N - TILES * rows_t

    hb = nch_t // 2
    SUBS = ((0, 160), (160, 160), (320, 160), (480, 144))

    def init_phase(ph):
        pltpu.sync_copy(g4_hbm.at[pl.ds(ph * NT + sid * rows_t, rows_t)],
                        acc.at[pl.ds(sid * rows_t, rows_t)])

        @pl.when(sid == TILES - 1)
        def _():
            pltpu.sync_copy(
                g4_hbm.at[pl.ds(ph * NT + TILES * rows_t, tail)],
                acc.at[pl.ds(TILES * rows_t, tail)])

    def readout_phase(ph):
        pltpu.sync_copy(acc.at[pl.ds(sid * rows_t, rows_t)],
                        out_hbm.at[pl.ds(ph * N + sid * rows_t, rows_t)])

        @pl.when(sid == TILES - 1)
        def _():
            pltpu.sync_copy(
                acc.at[pl.ds(TILES * rows_t, tail)],
                out_hbm.at[pl.ds(ph * N + TILES * rows_t, tail)])

    def boundary(ph_out, ph_in, rsem, isem):
        def ro(k, start):
            off, ln = SUBS[k]
            d = pltpu.make_async_copy(
                acc.at[pl.ds(sid * rows_t + off, ln)],
                out_hbm.at[pl.ds(ph_out * N + sid * rows_t + off, ln)], rsem)
            d.start() if start else d.wait()

        def ini(k, start):
            off, ln = SUBS[k]
            d = pltpu.make_async_copy(
                g4_hbm.at[pl.ds(ph_in * NT + sid * rows_t + off, ln)],
                acc.at[pl.ds(sid * rows_t + off, ln)], isem)
            d.start() if start else d.wait()

        ro(0, True)
        for k in range(len(SUBS)):
            ro(k, False)
            if k + 1 < len(SUBS):
                ro(k + 1, True)
            ini(k, True)

        @pl.when(sid == TILES - 1)
        def _():
            pltpu.sync_copy(
                acc.at[pl.ds(TILES * rows_t, tail)],
                out_hbm.at[pl.ds(ph_out * N + TILES * rows_t, tail)])
            pltpu.sync_copy(
                g4_hbm.at[pl.ds(ph_in * NT + TILES * rows_t, tail)],
                acc.at[pl.ds(TILES * rows_t, tail)])

        for k in range(len(SUBS)):
            ini(k, False)

    for h in range(2):
        ph = h * 2 + cid
        if h == 0:
            init_phase(ph)

        for half in range(2):
            base = sid * nch_t + half * hb
            pltpu.sync_copy(srcs_hbm.at[pl.ds(ph * (TILES * nch_t) + base, hb)],
                            src_v)
            pltpu.sync_copy(dst_hbm.at[pl.ds(base, hb)], dst_v)
            if half == 0:
                plsc.subcore_barrier()

            def gather(j, buf, sem):
                pltpu.async_copy(g4_hbm.at[src_v.at[j]], buf, sem)

            def gwait(j, buf, sem):
                pltpu.make_async_copy(g4_hbm.at[src_v.at[j]], buf, sem).wait()

            gather(0, buf0, sem0)
            gather(1, buf1, sem1)

            @pl.loop(0, hb // 2)
            def _(t):
                j = 2 * t
                gwait(j, buf0, sem0)
                pltpu.sync_copy(buf0, acc.at[dst_v.at[j]], add=True)

                @pl.when(j + 2 < hb)
                def _():
                    gather(j + 2, buf0, sem0)

                gwait(j + 1, buf1, sem1)
                pltpu.sync_copy(buf1, acc.at[dst_v.at[j + 1]], add=True)

                @pl.when(j + 3 < hb)
                def _():
                    gather(j + 3, buf1, sem1)

        plsc.subcore_barrier()
        if h == 0:
            boundary(ph, 1 * 2 + cid, sem0, sem1)
            plsc.subcore_barrier()
        else:
            readout_phase(ph)


def _scatter_call(g4, srcs, dst2d, nch):
    nch_t = nch // TILES
    mesh = plsc.VectorSubcoreMesh(core_axis_name="c", subcore_axis_name="s")
    f = functools.partial(
        pl.kernel,
        out_type=jax.ShapeDtypeStruct((4 * N, LANE), jnp.float32),
        mesh=mesh,
        scratch_types=[
            pltpu.VMEM((nch_t // 2, CHUNK), jnp.int32),
            pltpu.VMEM((nch_t // 2, CHUNK), jnp.int32),
            pltpu.VMEM((CHUNK, LANE), jnp.float32),
            pltpu.VMEM((CHUNK, LANE), jnp.float32),
            pltpu.VMEM_SHARED((NPB, LANE), jnp.float32),
            pltpu.SemaphoreType.DMA,
            pltpu.SemaphoreType.DMA,
        ],
    )(functools.partial(_scatter_body, nch_t))
    return f(g4, srcs, dst2d)



_R = 2048
_G = NT // _R
_ESTEPS = 16


def _k1_body(ew, dst_ref, x_ref, wa_ref, wc_ref, g_ref, dinv_ref, accq):
    i = pl.program_id(0)

    @pl.when(i < _ESTEPS)
    def _():
        d = dst_ref[...][0]
        qv = d // LANE
        rv = d % LANE
        qoh = (jnp.broadcast_to(qv, (_QROWS, ew))
               == lax.broadcasted_iota(jnp.int32, (_QROWS, ew), 0)
               ).astype(jnp.bfloat16)
        roh = (jnp.broadcast_to(rv, (LANE, ew))
               == lax.broadcasted_iota(jnp.int32, (LANE, ew), 0)
               ).astype(jnp.bfloat16)
        p = lax.dot_general(qoh, roh, (((1,), (1,)), ((), ())),
                            preferred_element_type=jnp.float32)
        accq[...] = jnp.where(i == 0, p, accq[...] + p)

    @pl.when(i >= _ESTEPS)
    def _():
        j = i - _ESTEPS
        degblk = accq[pl.ds(j * (_R // LANE), _R // LANE), :]
        rep = (lax.broadcasted_iota(jnp.int32, (_R, _R // LANE), 0) // LANE
               == lax.broadcasted_iota(jnp.int32, (_R, _R // LANE), 1)
               ).astype(jnp.float32)
        rows = lax.dot_general(rep, degblk, (((1,), (0,)), ((), ())),
                               preferred_element_type=jnp.float32)
        lanemask = (lax.broadcasted_iota(jnp.int32, (_R, LANE), 0) % LANE
                    == lax.broadcasted_iota(jnp.int32, (_R, LANE), 1))
        deg = jnp.sum(jnp.where(lanemask, rows, 0.0), axis=1) + 1.0
        dv = lax.rsqrt(jnp.maximum(deg, 1e-12))
        dinv_ref[0, 0, :] = dv
        dinv = dv[:, None]
        xb = x_ref[...]
        ha = jnp.dot(xb, wa_ref[...], preferred_element_type=jnp.float32)
        hc = jnp.dot(xb, wc_ref[...], preferred_element_type=jnp.float32)
        g_ref[0] = ha[:, :LANE] * dinv
        g_ref[1] = ha[:, LANE:] * dinv
        g_ref[2] = hc[:, :LANE] * dinv
        g_ref[3] = hc[:, LANE:] * dinv


def _k1_call(x, wa, wc, dst_rows):
    nsteps, _, ew = dst_rows.shape
    assert nsteps == _ESTEPS
    nj = lambda i: jnp.maximum(i - _ESTEPS, 0)
    return pl.pallas_call(
        functools.partial(_k1_body, ew),
        grid=(_ESTEPS + _G,),
        in_specs=[
            pl.BlockSpec((1, 1, ew), lambda i: (jnp.minimum(i, _ESTEPS - 1), 0, 0)),
            pl.BlockSpec((_R, D), lambda i: (nj(i), 0)),
            pl.BlockSpec((D, D), lambda i: (0, 0)),
            pl.BlockSpec((D, D), lambda i: (0, 0)),
        ],
        out_specs=[
            pl.BlockSpec((4, _R, LANE), lambda i: (0, nj(i), 0)),
            pl.BlockSpec((1, 1, _R), lambda i: (nj(i), 0, 0)),
        ],
        out_shape=[
            jax.ShapeDtypeStruct((4, NT, LANE), jnp.float32),
            jax.ShapeDtypeStruct((_G, 1, _R), jnp.float32),
        ],
        scratch_shapes=[pltpu.VMEM((_QROWS, LANE), jnp.float32)],
    )(dst_rows, x, wa, wc)



def _sigmoid(x):
    return 1.0 / (1.0 + jnp.exp(-x))


def _softplus(x):
    return jnp.maximum(x, 0.0) + jnp.log1p(jnp.exp(-jnp.abs(x)))


def _k2_body(s_ref, dinv_ref, x_ref, ba_ref, bc_ref,
             w1a_ref, b1a_ref, w2a_ref, b2a_ref, w3a_ref, b3a_ref,
             w1c_ref, b1c_ref, w2c_ref, b2c_ref, w3c_ref, b3c_ref,
             conc_ref, nz_ref, val_ref, pooled):
    i = pl.program_id(0)
    dinv = dinv_ref[0, 0, :][:, None]
    xb = x_ref[...]
    valid2 = (i * _R + lax.broadcasted_iota(jnp.int32, (_R, 1), 0)) < N

    sa = jnp.concatenate([s_ref[0], s_ref[1]], axis=1)
    ha = jnp.maximum(sa * dinv + ba_ref[...], 0.0) + xb
    t = jnp.maximum(jnp.dot(ha, w1a_ref[...], preferred_element_type=jnp.float32)
                    + b1a_ref[...], 0.0)
    t = jnp.maximum(jnp.dot(t, w2a_ref[...], preferred_element_type=jnp.float32)
                    + b2a_ref[...], 0.0)
    lg = jnp.dot(t, w3a_ref[...], preferred_element_type=jnp.float32) + b3a_ref[...]
    conc_ref[0, 0, :] = _softplus(lg[:, 0]) + JITTER
    nz_ref[0, 0, :] = _sigmoid(lg[:, 1])

    sc = jnp.concatenate([s_ref[2], s_ref[3]], axis=1)
    hc = jnp.maximum(sc * dinv + bc_ref[...], 0.0) + xb
    hcm = jnp.where(valid2, hc, 0.0)
    parts = [jnp.sum(hcm[k * LANE:(k + 1) * LANE], axis=0)
             for k in range(_R // LANE)]
    while len(parts) > 1:
        parts = [a + b for a, b in zip(parts[::2], parts[1::2])]
    ps = parts[0]
    pooled[0, :] = jnp.where(i == 0, ps, pooled[0, :] + ps)

    @pl.when(i == _G - 1)
    def _():
        p = pooled[0, :][None, :]
        hp = jax.lax.Precision.HIGHEST
        u = jnp.maximum(jnp.dot(p, w1c_ref[...], precision=hp,
                                preferred_element_type=jnp.float32)
                        + b1c_ref[...], 0.0)
        u = jnp.maximum(jnp.dot(u, w2c_ref[...], precision=hp,
                                preferred_element_type=jnp.float32)
                        + b2c_ref[...], 0.0)
        v = jnp.dot(u, w3c_ref[...], precision=hp,
                    preferred_element_type=jnp.float32)
        val_ref[...] = v[:, :1] + b3c_ref[...]


def _k2_call(s4, dinv5, x, ba, bc, w1a, b1a, w2a, b2a, w3ap, b3ap,
             w1c, b1c, w2c, b2c, w3cp, b3c2):
    full = lambda shape: pl.BlockSpec(shape, lambda i: tuple(0 for _ in shape))
    return pl.pallas_call(
        _k2_body,
        grid=(_G,),
        in_specs=[
            pl.BlockSpec((4, _R, LANE), lambda i: (0, i, 0)),
            pl.BlockSpec((1, 1, _R), lambda i: (i, 0, 0)),
            pl.BlockSpec((_R, D), lambda i: (i, 0)),
            full((D,)), full((D,)),
            full((D, 128)), full((128,)), full((128, 64)), full((64,)),
            full((64, 128)), full((128,)),
            full((D, 128)), full((128,)), full((128, 64)), full((64,)),
            full((64, 128)), full((1, 1)),
        ],
        out_specs=[
            pl.BlockSpec((1, 1, _R), lambda i: (i, 0, 0)),
            pl.BlockSpec((1, 1, _R), lambda i: (i, 0, 0)),
            pl.BlockSpec((1, 1), lambda i: (0, 0)),
        ],
        out_shape=[
            jax.ShapeDtypeStruct((_G, 1, _R), jnp.float32),
            jax.ShapeDtypeStruct((_G, 1, _R), jnp.float32),
            jax.ShapeDtypeStruct((1, 1), jnp.float32),
        ],
        scratch_shapes=[pltpu.VMEM((1, D), jnp.float32)],
    )(s4, dinv5, x, ba, bc, w1a, b1a, w2a, b2a, w3ap, b3ap,
      w1c, b1c, w2c, b2c, w3cp, b3c2)



def kernel(x, edge_index, W_gcn_a, b_gcn_a, W1a, b1a, W2a, b2a, W3a, b3a,
           W_gcn_c, b_gcn_c, W1c, b1c, W2c, b2c, W3c, b3c):
    E = edge_index.shape[1]
    ep, nch = _edge_layout(E)
    pad = ep - E

    ei = edge_index.astype(jnp.int32)
    apad = jnp.arange(pad, dtype=jnp.int32)
    src_p = jnp.concatenate([ei[0], apad % N])
    dst_p = jnp.concatenate([ei[1], N + apad % TRASH])
    srcs = (src_p[None, :]
            + (jnp.arange(4, dtype=jnp.int32) * NT)[:, None]).reshape(-1, CHUNK)
    dst2d = dst_p.reshape(nch, CHUNK)

    g4, dinv5 = _k1_call(x, W_gcn_a, W_gcn_c, dst_p.reshape(_ESTEPS, 1, -1))
    g4 = g4.reshape(4 * NT, LANE)
    s4 = _scatter_call(g4, srcs, dst2d, nch).reshape(4, N, LANE)

    w3ap = jnp.pad(W3a, ((0, 0), (0, 126)))
    b3ap = jnp.pad(b3a, (0, 126))
    w3cp = jnp.pad(W3c, ((0, 0), (0, 127)))
    b3c2 = b3c.reshape(1, 1)
    conc2, nz2, val = _k2_call(
        s4, dinv5, x, b_gcn_a, b_gcn_c, W1a, b1a, W2a, b2a, w3ap, b3ap,
        W1c, b1c, W2c, b2c, w3cp, b3c2)
    return conc2.reshape(-1)[:N], nz2.reshape(-1)[:N], val.reshape(-1)

# --- scband reference (transcript-rebuilt; emitter-appended) ---
"""Pipeline reference for scband-a2-c-21534966022297 (READ-ONLY COPY).

The authoritative reference and input builder live on the scoring server;
editing this copy changes nothing except your own understanding.
"""

import jax, jax.numpy as jnp
import numpy as np

N = 10000
E = 160000
D = 256
JITTER = 1e-20


def gcn_conv(x, edge_index, W, b):
    # torch_geometric-style GCNConv: add self-loops, symmetric normalization,
    # linear transform, scatter-add aggregation, bias.
    n = x.shape[0]
    loop = jnp.arange(n, dtype=edge_index.dtype)
    src = jnp.concatenate([edge_index[0], loop])
    dst = jnp.concatenate([edge_index[1], loop])
    deg = jnp.zeros((n,), dtype=x.dtype).at[dst].add(1.0)
    dinv = jax.lax.rsqrt(jnp.maximum(deg, 1e-12))
    norm = dinv[src] * dinv[dst]
    h = x @ W
    msgs = h[src] * norm[:, None]
    out = jnp.zeros((n, W.shape[1]), dtype=x.dtype).at[dst].add(msgs)
    return out + b


def mlp_head(x, W1, b1, W2, b2, W3, b3):
    h = jax.nn.relu(x @ W1 + b1)
    h = jax.nn.relu(h @ W2 + b2)
    return h @ W3 + b3


def setup_inputs(seed: int = 0) -> dict:
    key = jax.random.key(seed)
    ks = jax.random.split(key, 20)
    x = jax.random.normal(ks[0], (N, D), dtype=jnp.float32)
    edge_index = jax.random.randint(ks[1], (2, E), 0, N, dtype=jnp.int64)

    def lin(k, fan_in, fan_out):
        return jax.random.normal(k, (fan_in, fan_out), dtype=jnp.float32) / jnp.sqrt(float(fan_in))

    inp = {
        'x': x,
        'edge_index': edge_index,
        # actor params
        'W_gcn_a': lin(ks[2], D, D), 'b_gcn_a': jnp.zeros((D,), jnp.float32),
        'W1a': lin(ks[3], D, 128), 'b1a': jnp.zeros((128,), jnp.float32),
        'W2a': lin(ks[4], 128, 64), 'b2a': jnp.zeros((64,), jnp.float32),
        'W3a': lin(ks[5], 64, 2), 'b3a': jnp.zeros((2,), jnp.float32),
        # critic params
        'W_gcn_c': lin(ks[6], D, D), 'b_gcn_c': jnp.zeros((D,), jnp.float32),
        'W1c': lin(ks[7], D, 128), 'b1c': jnp.zeros((128,), jnp.float32),
        'W2c': lin(ks[8], 128, 64), 'b2c': jnp.zeros((64,), jnp.float32),
        'W3c': lin(ks[9], 64, 1), 'b3c': jnp.zeros((1,), jnp.float32),
    }
    return inp


def reference(x, edge_index, W_gcn_a, b_gcn_a, W1a, b1a, W2a, b2a, W3a, b3a,
              W_gcn_c, b_gcn_c, W1c, b1c, W2c, b2c, W3c, b3c):
    # Actor
    out_a = jax.nn.relu(gcn_conv(x, edge_index, W_gcn_a, b_gcn_a))
    ha = out_a + x
    logits = mlp_head(ha, W1a, b1a, W2a, b2a, W3a, b3a)  # [N, 2]
    a_out_concentration = logits[:, 0]
    a_out_is_zero = logits[:, 1]
    concentration = jax.nn.softplus(a_out_concentration).reshape(-1) + JITTER
    non_zero = jax.nn.sigmoid(a_out_is_zero).reshape(-1)
    # Critic
    out_c = jax.nn.relu(gcn_conv(x, edge_index, W_gcn_c, b_gcn_c))
    hc = out_c + x
    pooled = jnp.sum(hc, axis=0)  # [D]
    value = mlp_head(pooled, W1c, b1c, W2c, b2c, W3c, b3c)  # [1]
    return (concentration, non_zero, value)

if __name__ == "__main__":
    import jax
    _d = setup_inputs()
    print(jax.jit(kernel)(*tuple(_d.values())))

</pallas_src>

<mosaic_0001>
#map = affine_map<(d0, d1) -> (0, 0)>
module attributes {stable_mosaic.version = 14 : i64} {
  func.func @_scatter_body(%arg0: i32, %arg1: i32, %arg2: memref<40960x128xf32, #tpu.memory_space<hbm>>, %arg3: memref<5120x128xi32, #tpu.memory_space<hbm>>, %arg4: memref<1280x128xi32, #tpu.memory_space<hbm>>, %arg5: memref<40000x128xf32, #tpu.memory_space<hbm>>, %arg6: memref<40x128xi32, #tpu.memory_space<vmem>>, %arg7: memref<40x128xi32, #tpu.memory_space<vmem>>, %arg8: memref<128x128xf32, #tpu.memory_space<vmem>>, %arg9: memref<128x128xf32, #tpu.memory_space<vmem>>, %arg10: memref<10048x128xf32, #tpu.memory_space<vmem_shared>>, %arg11: memref<!tpu.dma_semaphore, #tpu.memory_space<semaphore_mem>>, %arg12: memref<!tpu.dma_semaphore, #tpu.memory_space<semaphore_mem>>) attributes {dimension_semantics = [#tpu.dimension_semantics<core_parallel>, #tpu.dimension_semantics<subcore_parallel>], iteration_bounds = array<i64: 2, 16>, scalar_prefetch = 0 : i64, scratch_operands = 7 : i64, tpu.core_type = #tpu.core_type<sc_vector_subcore>, window_params = [{transform_indices = #map}, {transform_indices = #map}, {transform_indices = #map}, {transform_indices = #map}]} {
    %add3A = arith.constant 0 : i32
    %add3A_0 = arith.addi %add3A, %arg0 : i32
    %mul3A = arith.constant 10240 : i32
    %mul3A_1 = arith.muli %add3A_0, %mul3A : i32
    %mul3A_2 = arith.constant 624 : i32
    %mul3A_3 = arith.muli %arg1, %mul3A_2 : i32
    %add3A_4 = arith.addi %mul3A_1, %mul3A_3 : i32
    %mul3A_5 = arith.constant 624 : i32
    %mul3A_6 = arith.muli %arg1, %mul3A_5 : i32
    "tpu.region"() ({
      %run_scoped3A = tpu.sem_alloc : memref<!tpu.dma_semaphore, #tpu.memory_space<semaphore_mem>>
      %dma_start3A_375 = arith.constant 0 : i32
      %dma_start3A_376 = tpu.memref_slice %arg10[%mul3A_6, %dma_start3A_375] : memref<10048x128xf32, #tpu.memory_space<vmem_shared>> -> memref<624x128xf32, #tpu.memory_space<vmem_shared>>
      %dma_start3A_377 = arith.constant 0 : i32
      %dma_start3A_378 = tpu.memref_slice %arg2[%add3A_4, %dma_start3A_377] : memref<40960x128xf32, #tpu.memory_space<hbm>> -> memref<624x128xf32, #tpu.memory_space<hbm>>
      tpu.enqueue_dma source(%dma_start3A_378 : memref<624x128xf32, #tpu.memory_space<hbm>>) target(%dma_start3A_376 : memref<624x128xf32, #tpu.memory_space<vmem_shared>>) target_semaphore(%run_scoped3A : memref<!tpu.dma_semaphore, #tpu.memory_space<semaphore_mem>>)
      %dma_wait3A_379 = arith.constant 0 : i32
      %dma_wait3A_380 = tpu.memref_slice %arg10[%mul3A_6, %dma_wait3A_379] : memref<10048x128xf32, #tpu.memory_space<vmem_shared>> -> memref<624x128xf32, #tpu.memory_space<vmem_shared>>
      %dma_wait3A_381 = arith.constant 0 : i32
      %dma_wait3A_382 = tpu.memref_slice %arg2[%add3A_4, %dma_wait3A_381] : memref<40960x128xf32, #tpu.memory_space<hbm>> -> memref<624x128xf32, #tpu.memory_space<hbm>>
      tpu.wait_dma2 semaphore(%run_scoped3A : memref<!tpu.dma_semaphore, #tpu.memory_space<semaphore_mem>>) src(%dma_wait3A_382 : memref<624x128xf32, #tpu.memory_space<hbm>>) dst(%dma_wait3A_380 : memref<624x128xf32, #tpu.memory_space<vmem_shared>>)
      tpu.yield
    }) : () -> ()
    %eq3A = arith.constant 15 : i32
    %eq3A_7 = arith.cmpi eq, %arg1, %eq3A : i32
    %convert_element_type3A = arith.extui %eq3A_7 : i1 to i32
    %cond3A = arith.constant 0 : i32
    %cond3A_8 = arith.cmpi ne, %convert_element_type3A, %cond3A : i32
    scf.if %cond3A_8 {
      %mul3A_375 = arith.constant 10240 : i32
      %mul3A_376 = arith.muli %add3A_0, %mul3A_375 : i32
      %add3A_377 = arith.constant 9984 : i32
      %add3A_378 = arith.addi %mul3A_376, %add3A_377 : i32
      "tpu.region"() ({
        %run_scoped3A = tpu.sem_alloc : memref<!tpu.dma_semaphore, #tpu.memory_space<semaphore_mem>>
        %dma_start3A_379 = arith.constant 9984 : i32
        %dma_start3A_380 = arith.constant 0 : i32
        %dma_start3A_381 = tpu.memref_slice %arg10[%dma_start3A_379, %dma_start3A_380] : memref<10048x128xf32, #tpu.memory_space<vmem_shared>> -> memref<16x128xf32, #tpu.memory_space<vmem_shared>>
        %dma_start3A_382 = arith.constant 0 : i32
        %dma_start3A_383 = tpu.memref_slice %arg2[%add3A_378, %dma_start3A_382] : memref<40960x128xf32, #tpu.memory_space<hbm>> -> memref<16x128xf32, #tpu.memory_space<hbm>>
        tpu.enqueue_dma source(%dma_start3A_383 : memref<16x128xf32, #tpu.memory_space<hbm>>) target(%dma_start3A_381 : memref<16x128xf32, #tpu.memory_space<vmem_shared>>) target_semaphore(%run_scoped3A : memref<!tpu.dma_semaphore, #tpu.memory_space<semaphore_mem>>)
        %dma_wait3A_384 = arith.constant 9984 : i32
        %dma_wait3A_385 = arith.constant 0 : i32
        %dma_wait3A_386 = tpu.memref_slice %arg10[%dma_wait3A_384, %dma_wait3A_385] : memref<10048x128xf32, #tpu.memory_space<vmem_shared>> -> memref<16x128xf32, #tpu.memory_space<vmem_shared>>
        %dma_wait3A_387 = arith.constant 0 : i32
        %dma_wait3A_388 = tpu.memref_slice %arg2[%add3A_378, %dma_wait3A_387] : memref<40960x128xf32, #tpu.memory_space<hbm>> -> memref<16x128xf32, #tpu.memory_space<hbm>>
        tpu.wait_dma2 semaphore(%run_scoped3A : memref<!tpu.dma_semaphore, #tpu.memory_space<semaphore_mem>>) src(%dma_wait3A_388 : memref<16x128xf32, #tpu.memory_space<hbm>>) dst(%dma_wait3A_386 : memref<16x128xf32, #tpu.memory_space<vmem_shared>>)
        tpu.yield
      }) : () -> ()
    } else {
    }
    %mul3A_9 = arith.constant 80 : i32
    %mul3A_10 = arith.muli %arg1, %mul3A_9 : i32
    %add3A_11 = arith.constant 0 : i32
    %add3A_12 = arith.addi %mul3A_10, %add3A_11 : i32
    %mul3A_13 = arith.constant 1280 : i32
    %mul3A_14 = arith.muli %add3A_0, %mul3A_13 : i32
    %add3A_15 = arith.addi %mul3A_14, %add3A_12 : i32
    "tpu.region"() ({
      %run_scoped3A = tpu.sem_alloc : memref<!tpu.dma_semaphore, #tpu.memory_space<semaphore_mem>>
      %dma_start3A_375 = arith.constant 0 : i32
      %dma_start3A_376 = tpu.memref_slice %arg3[%add3A_15, %dma_start3A_375] : memref<5120x128xi32, #tpu.memory_space<hbm>> -> memref<40x128xi32, #tpu.memory_space<hbm>>
      %dma_start3A_377 = arith.constant 0 : i32
      %dma_start3A_378 = tpu.memref_slice %arg3[%add3A_15, %dma_start3A_377] : memref<5120x128xi32, #tpu.memory_space<hbm>> -> memref<40x128xi32, #tpu.memory_space<hbm>>
      tpu.enqueue_dma source(%dma_start3A_378 : memref<40x128xi32, #tpu.memory_space<hbm>>) target(%arg6 : memref<40x128xi32, #tpu.memory_space<vmem>>) target_semaphore(%run_scoped3A : memref<!tpu.dma_semaphore, #tpu.memory_space<semaphore_mem>>)
      %dma_wait3A_379 = arith.constant 0 : i32
      %dma_wait3A_380 = tpu.memref_slice %arg3[%add3A_15, %dma_wait3A_379] : memref<5120x128xi32, #tpu.memory_space<hbm>> -> memref<40x128xi32, #tpu.memory_space<hbm>>
      %dma_wait3A_381 = arith.constant 0 : i32
      %dma_wait3A_382 = tpu.memref_slice %arg3[%add3A_15, %dma_wait3A_381] : memref<5120x128xi32, #tpu.memory_space<hbm>> -> memref<40x128xi32, #tpu.memory_space<hbm>>
      tpu.wait_dma2 semaphore(%run_scoped3A : memref<!tpu.dma_semaphore, #tpu.memory_space<semaphore_mem>>) src(%dma_wait3A_382 : memref<40x128xi32, #tpu.memory_space<hbm>>) dst(%arg6 : memref<40x128xi32, #tpu.memory_space<vmem>>)
      tpu.yield
    }) : () -> ()
    "tpu.region"() ({
      %run_scoped3A = tpu.sem_alloc : memref<!tpu.dma_semaphore, #tpu.memory_space<semaphore_mem>>
      %dma_start3A_375 = arith.constant 0 : i32
      %dma_start3A_376 = tpu.memref_slice %arg4[%add3A_12, %dma_start3A_375] : memref<1280x128xi32, #tpu.memory_space<hbm>> -> memref<40x128xi32, #tpu.memory_space<hbm>>
      %dma_start3A_377 = arith.constant 0 : i32
      %dma_start3A_378 = tpu.memref_slice %arg4[%add3A_12, %dma_start3A_377] : memref<1280x128xi32, #tpu.memory_space<hbm>> -> memref<40x128xi32, #tpu.memory_space<hbm>>
      tpu.enqueue_dma source(%dma_start3A_378 : memref<40x128xi32, #tpu.memory_space<hbm>>) target(%arg7 : memref<40x128xi32, #tpu.memory_space<vmem>>) target_semaphore(%run_scoped3A : memref<!tpu.dma_semaphore, #tpu.memory_space<semaphore_mem>>)
      %dma_wait3A_379 = arith.constant 0 : i32
      %dma_wait3A_380 = tpu.memref_slice %arg4[%add3A_12, %dma_wait3A_379] : memref<1280x128xi32, #tpu.memory_space<hbm>> -> memref<40x128xi32, #tpu.memory_space<hbm>>
      %dma_wait3A_381 = arith.constant 0 : i32
      %dma_wait3A_382 = tpu.memref_slice %arg4[%add3A_12, %dma_wait3A_381] : memref<1280x128xi32, #tpu.memory_space<hbm>> -> memref<40x128xi32, #tpu.memory_space<hbm>>
      tpu.wait_dma2 semaphore(%run_scoped3A : memref<!tpu.dma_semaphore, #tpu.memory_space<semaphore_mem>>) src(%dma_wait3A_382 : memref<40x128xi32, #tpu.memory_space<hbm>>) dst(%arg7 : memref<40x128xi32, #tpu.memory_space<vmem>>)
      tpu.yield
    }) : () -> ()
    %barrier3A = arith.constant 0 : index
    tpu.barrier barrier_id(%barrier3A)
    %dma_start3A = arith.constant 0 : i32
    %dma_start3A_16 = arith.constant 0 : i32
    %dma_start3A_17 = tpu.memref_slice %arg6[%dma_start3A, %dma_start3A_16] : memref<40x128xi32, #tpu.memory_space<vmem>> -> memref<1x128xi32, #tpu.memory_space<vmem>>
    %dma_start3A_18 = tpu.memref_squeeze %dma_start3A_17 : memref<1x128xi32, #tpu.memory_space<vmem>> -> memref<128xi32, #tpu.memory_space<vmem>>
    %dma_start3A_19 = arith.constant 0 : i32
    %dma_start3A_20 = arith.constant 0 : i32
    %dma_start3A_21 = tpu.memref_slice %arg2[%dma_start3A_19, %dma_start3A_20] : memref<40960x128xf32, #tpu.memory_space<hbm>> -> memref<40960x128xf32, #tpu.memory_space<hbm>>
    tpu.enqueue_indirect_dma source(%dma_start3A_21 : memref<40960x128xf32, #tpu.memory_space<hbm>>) target(%arg8 : memref<128x128xf32, #tpu.memory_space<vmem>>) offsets(%dma_start3A_18 : memref<128xi32, #tpu.memory_space<vmem>>) semaphore(%arg11 : memref<!tpu.dma_semaphore, #tpu.memory_space<semaphore_mem>>)
    %dma_start3A_22 = arith.constant 1 : i32
    %dma_start3A_23 = arith.constant 0 : i32
    %dma_start3A_24 = tpu.memref_slice %arg6[%dma_start3A_22, %dma_start3A_23] : memref<40x128xi32, #tpu.memory_space<vmem>> -> memref<1x128xi32, #tpu.memory_space<vmem>>
    %dma_start3A_25 = tpu.memref_squeeze %dma_start3A_24 : memref<1x128xi32, #tpu.memory_space<vmem>> -> memref<128xi32, #tpu.memory_space<vmem>>
    %dma_start3A_26 = arith.constant 0 : i32
    %dma_start3A_27 = arith.constant 0 : i32
    %dma_start3A_28 = tpu.memref_slice %arg2[%dma_start3A_26, %dma_start3A_27] : memref<40960x128xf32, #tpu.memory_space<hbm>> -> memref<40960x128xf32, #tpu.memory_space<hbm>>
    tpu.enqueue_indirect_dma source(%dma_start3A_28 : memref<40960x128xf32, #tpu.memory_space<hbm>>) target(%arg9 : memref<128x128xf32, #tpu.memory_space<vmem>>) offsets(%dma_start3A_25 : memref<128xi32, #tpu.memory_space<vmem>>) semaphore(%arg12 : memref<!tpu.dma_semaphore, #tpu.memory_space<semaphore_mem>>)
    %scan3A = arith.constant 0 : i32
    %scan3A_29 = arith.constant 20 : i32
    %scan3A_30 = arith.addi %scan3A, %scan3A_29 : i32
    %scan3A_31 = arith.constant 1 : i32
    scf.for %scan3A_375 = %scan3A to %scan3A_30 step %scan3A_31  : i32 {
      %mul3A_376 = arith.constant 1 : i32
      %mul3A_377 = arith.muli %scan3A_375, %mul3A_376 : i32
      %add3A_378 = arith.constant 0 : i32
      %add3A_379 = arith.addi %add3A_378, %mul3A_377 : i32
      %mul3A_380 = arith.constant 2 : i32
      %mul3A_381 = arith.muli %mul3A_380, %add3A_379 : i32
      %dma_wait3A_382 = arith.constant 0 : i32
      %dma_wait3A_383 = tpu.memref_slice %arg6[%mul3A_381, %dma_wait3A_382] : memref<40x128xi32, #tpu.memory_space<vmem>> -> memref<1x128xi32, #tpu.memory_space<vmem>>
      %dma_wait3A_384 = tpu.memref_squeeze %dma_wait3A_383 : memref<1x128xi32, #tpu.memory_space<vmem>> -> memref<128xi32, #tpu.memory_space<vmem>>
      %dma_wait3A_385 = arith.constant 0 : i32
      %dma_wait3A_386 = arith.constant 0 : i32
      %dma_wait3A_387 = tpu.memref_slice %arg2[%dma_wait3A_385, %dma_wait3A_386] : memref<40960x128xf32, #tpu.memory_space<hbm>> -> memref<40960x128xf32, #tpu.memory_space<hbm>>
      tpu.wait_indirect_dma semaphore(%arg11 : memref<!tpu.dma_semaphore, #tpu.memory_space<semaphore_mem>>) src(%dma_wait3A_387 : memref<40960x128xf32, #tpu.memory_space<hbm>>) dst(%arg8 : memref<128x128xf32, #tpu.memory_space<vmem>>)
      "tpu.region"() ({
        %run_scoped3A = tpu.sem_alloc : memref<!tpu.dma_semaphore, #tpu.memory_space<semaphore_mem>>
        %dma_start3A_411 = arith.constant 0 : i32
        %dma_start3A_412 = tpu.memref_slice %arg7[%mul3A_381, %dma_start3A_411] : memref<40x128xi32, #tpu.memory_space<vmem>> -> memref<1x128xi32, #tpu.memory_space<vmem>>
        %dma_start3A_413 = tpu.memref_squeeze %dma_start3A_412 : memref<1x128xi32, #tpu.memory_space<vmem>> -> memref<128xi32, #tpu.memory_space<vmem>>
        %dma_start3A_414 = arith.constant 0 : i32
        %dma_start3A_415 = arith.constant 0 : i32
        %dma_start3A_416 = tpu.memref_slice %arg10[%dma_start3A_414, %dma_start3A_415] : memref<10048x128xf32, #tpu.memory_space<vmem_shared>> -> memref<10048x128xf32, #tpu.memory_space<vmem_shared>>
        tpu.enqueue_indirect_dma source(%arg8 : memref<128x128xf32, #tpu.memory_space<vmem>>) target(%dma_start3A_416 : memref<10048x128xf32, #tpu.memory_space<vmem_shared>>) offsets(%dma_start3A_413 : memref<128xi32, #tpu.memory_space<vmem>>) semaphore(%run_scoped3A : memref<!tpu.dma_semaphore, #tpu.memory_space<semaphore_mem>>) {add = true}
        %dma_wait3A_417 = arith.constant 0 : i32
        %dma_wait3A_418 = tpu.memref_slice %arg7[%mul3A_381, %dma_wait3A_417] : memref<40x128xi32, #tpu.memory_space<vmem>> -> memref<1x128xi32, #tpu.memory_space<vmem>>
        %dma_wait3A_419 = tpu.memref_squeeze %dma_wait3A_418 : memref<1x128xi32, #tpu.memory_space<vmem>> -> memref<128xi32, #tpu.memory_space<vmem>>
        %dma_wait3A_420 = arith.constant 0 : i32
        %dma_wait3A_421 = arith.constant 0 : i32
        %dma_wait3A_422 = tpu.memref_slice %arg10[%dma_wait3A_420, %dma_wait3A_421] : memref<10048x128xf32, #tpu.memory_space<vmem_shared>> -> memref<10048x128xf32, #tpu.memory_space<vmem_shared>>
        tpu.wait_indirect_dma semaphore(%run_scoped3A : memref<!tpu.dma_semaphore, #tpu.memory_space<semaphore_mem>>) src(%arg8 : memref<128x128xf32, #tpu.memory_space<vmem>>) dst(%dma_wait3A_422 : memref<10048x128xf32, #tpu.memory_space<vmem_shared>>)
        tpu.yield
      }) : () -> ()
      %add3A_388 = arith.constant 2 : i32
      %add3A_389 = arith.addi %mul3A_381, %add3A_388 : i32
      %lt3A = arith.constant 40 : i32
      %lt3A_390 = arith.cmpi slt, %add3A_389, %lt3A : i32
      %convert_element_type3A_391 = arith.extui %lt3A_390 : i1 to i32
      %cond3A_392 = arith.constant 0 : i32
      %cond3A_393 = arith.cmpi ne, %convert_element_type3A_391, %cond3A_392 : i32
      scf.if %cond3A_393 {
        %add3A_411 = arith.constant 2 : i32
        %add3A_412 = arith.addi %mul3A_381, %add3A_411 : i32
        %dma_start3A_413 = arith.constant 0 : i32
        %dma_start3A_414 = tpu.memref_slice %arg6[%add3A_412, %dma_start3A_413] : memref<40x128xi32, #tpu.memory_space<vmem>> -> memref<1x128xi32, #tpu.memory_space<vmem>>
        %dma_start3A_415 = tpu.memref_squeeze %dma_start3A_414 : memref<1x128xi32, #tpu.memory_space<vmem>> -> memref<128xi32, #tpu.memory_space<vmem>>
        %dma_start3A_416 = arith.constant 0 : i32
        %dma_start3A_417 = arith.constant 0 : i32
        %dma_start3A_418 = tpu.memref_slice %arg2[%dma_start3A_416, %dma_start3A_417] : memref<40960x128xf32, #tpu.memory_space<hbm>> -> memref<40960x128xf32, #tpu.memory_space<hbm>>
        tpu.enqueue_indirect_dma source(%dma_start3A_418 : memref<40960x128xf32, #tpu.memory_space<hbm>>) target(%arg8 : memref<128x128xf32, #tpu.memory_space<vmem>>) offsets(%dma_start3A_415 : memref<128xi32, #tpu.memory_space<vmem>>) semaphore(%arg11 : memref<!tpu.dma_semaphore, #tpu.memory_space<semaphore_mem>>)
      } else {
      }
      %add3A_394 = arith.constant 1 : i32
      %add3A_395 = arith.addi %mul3A_381, %add3A_394 : i32
      %dma_wait3A_396 = arith.constant 0 : i32
      %dma_wait3A_397 = tpu.memref_slice %arg6[%add3A_395, %dma_wait3A_396] : memref<40x128xi32, #tpu.memory_space<vmem>> -> memref<1x128xi32, #tpu.memory_space<vmem>>
      %dma_wait3A_398 = tpu.memref_squeeze %dma_wait3A_397 : memref<1x128xi32, #tpu.memory_space<vmem>> -> memref<128xi32, #tpu.memory_space<vmem>>
      %dma_wait3A_399 = arith.constant 0 : i32
      %dma_wait3A_400 = arith.constant 0 : i32
      %dma_wait3A_401 = tpu.memref_slice %arg2[%dma_wait3A_399, %dma_wait3A_400] : memref<40960x128xf32, #tpu.memory_space<hbm>> -> memref<40960x128xf32, #tpu.memory_space<hbm>>
      tpu.wait_indirect_dma semaphore(%arg12 : memref<!tpu.dma_semaphore, #tpu.memory_space<semaphore_mem>>) src(%dma_wait3A_401 : memref<40960x128xf32, #tpu.memory_space<hbm>>) dst(%arg9 : memref<128x128xf32, #tpu.memory_space<vmem>>)
      %add3A_402 = arith.constant 1 : i32
      %add3A_403 = arith.addi %mul3A_381, %add3A_402 : i32
      "tpu.region"() ({
        %run_scoped3A = tpu.sem_alloc : memref<!tpu.dma_semaphore, #tpu.memory_space<semaphore_mem>>
        %dma_start3A_411 = arith.constant 0 : i32
        %dma_start3A_412 = tpu.memref_slice %arg7[%add3A_403, %dma_start3A_411] : memref<40x128xi32, #tpu.memory_space<vmem>> -> memref<1x128xi32, #tpu.memory_space<vmem>>
        %dma_start3A_413 = tpu.memref_squeeze %dma_start3A_412 : memref<1x128xi32, #tpu.memory_space<vmem>> -> memref<128xi32, #tpu.memory_space<vmem>>
        %dma_start3A_414 = arith.constant 0 : i32
        %dma_start3A_415 = arith.constant 0 : i32
        %dma_start3A_416 = tpu.memref_slice %arg10[%dma_start3A_414, %dma_start3A_415] : memref<10048x128xf32, #tpu.memory_space<vmem_shared>> -> memref<10048x128xf32, #tpu.memory_space<vmem_shared>>
        tpu.enqueue_indirect_dma source(%arg9 : memref<128x128xf32, #tpu.memory_space<vmem>>) target(%dma_start3A_416 : memref<10048x128xf32, #tpu.memory_space<vmem_shared>>) offsets(%dma_start3A_413 : memref<128xi32, #tpu.memory_space<vmem>>) semaphore(%run_scoped3A : memref<!tpu.dma_semaphore, #tpu.memory_space<semaphore_mem>>) {add = true}
        %dma_wait3A_417 = arith.constant 0 : i32
        %dma_wait3A_418 = tpu.memref_slice %arg7[%add3A_403, %dma_wait3A_417] : memref<40x128xi32, #tpu.memory_space<vmem>> -> memref<1x128xi32, #tpu.memory_space<vmem>>
        %dma_wait3A_419 = tpu.memref_squeeze %dma_wait3A_418 : memref<1x128xi32, #tpu.memory_space<vmem>> -> memref<128xi32, #tpu.memory_space<vmem>>
        %dma_wait3A_420 = arith.constant 0 : i32
        %dma_wait3A_421 = arith.constant 0 : i32
        %dma_wait3A_422 = tpu.memref_slice %arg10[%dma_wait3A_420, %dma_wait3A_421] : memref<10048x128xf32, #tpu.memory_space<vmem_shared>> -> memref<10048x128xf32, #tpu.memory_space<vmem_shared>>
        tpu.wait_indirect_dma semaphore(%run_scoped3A : memref<!tpu.dma_semaphore, #tpu.memory_space<semaphore_mem>>) src(%arg9 : memref<128x128xf32, #tpu.memory_space<vmem>>) dst(%dma_wait3A_422 : memref<10048x128xf32, #tpu.memory_space<vmem_shared>>)
        tpu.yield
      }) : () -> ()
      %add3A_404 = arith.constant 3 : i32
      %add3A_405 = arith.addi %mul3A_381, %add3A_404 : i32
      %lt3A_406 = arith.constant 40 : i32
      %lt3A_407 = arith.cmpi slt, %add3A_405, %lt3A_406 : i32
      %convert_element_type3A_408 = arith.extui %lt3A_407 : i1 to i32
      %cond3A_409 = arith.constant 0 : i32
      %cond3A_410 = arith.cmpi ne, %convert_element_type3A_408, %cond3A_409 : i32
      scf.if %cond3A_410 {
        %add3A_411 = arith.constant 3 : i32
        %add3A_412 = arith.addi %mul3A_381, %add3A_411 : i32
        %dma_start3A_413 = arith.constant 0 : i32
        %dma_start3A_414 = tpu.memref_slice %arg6[%add3A_412, %dma_start3A_413] : memref<40x128xi32, #tpu.memory_space<vmem>> -> memref<1x128xi32, #tpu.memory_space<vmem>>
        %dma_start3A_415 = tpu.memref_squeeze %dma_start3A_414 : memref<1x128xi32, #tpu.memory_space<vmem>> -> memref<128xi32, #tpu.memory_space<vmem>>
        %dma_start3A_416 = arith.constant 0 : i32
        %dma_start3A_417 = arith.constant 0 : i32
        %dma_start3A_418 = tpu.memref_slice %arg2[%dma_start3A_416, %dma_start3A_417] : memref<40960x128xf32, #tpu.memory_space<hbm>> -> memref<40960x128xf32, #tpu.memory_space<hbm>>
        tpu.enqueue_indirect_dma source(%dma_start3A_418 : memref<40960x128xf32, #tpu.memory_space<hbm>>) target(%arg9 : memref<128x128xf32, #tpu.memory_space<vmem>>) offsets(%dma_start3A_415 : memref<128xi32, #tpu.memory_space<vmem>>) semaphore(%arg12 : memref<!tpu.dma_semaphore, #tpu.memory_space<semaphore_mem>>)
      } else {
      }
    }
    %scan3A_32 = arith.constant 20 : i32
    %mul3A_33 = arith.constant 80 : i32
    %mul3A_34 = arith.muli %arg1, %mul3A_33 : i32
    %add3A_35 = arith.constant 40 : i32
    %add3A_36 = arith.addi %mul3A_34, %add3A_35 : i32
    %mul3A_37 = arith.constant 1280 : i32
    %mul3A_38 = arith.muli %add3A_0, %mul3A_37 : i32
    %add3A_39 = arith.addi %mul3A_38, %add3A_36 : i32
    "tpu.region"() ({
      %run_scoped3A = tpu.sem_alloc : memref<!tpu.dma_semaphore, #tpu.memory_space<semaphore_mem>>
      %dma_start3A_375 = arith.constant 0 : i32
      %dma_start3A_376 = tpu.memref_slice %arg3[%add3A_39, %dma_start3A_375] : memref<5120x128xi32, #tpu.memory_space<hbm>> -> memref<40x128xi32, #tpu.memory_space<hbm>>
      %dma_start3A_377 = arith.constant 0 : i32
      %dma_start3A_378 = tpu.memref_slice %arg3[%add3A_39, %dma_start3A_377] : memref<5120x128xi32, #tpu.memory_space<hbm>> -> memref<40x128xi32, #tpu.memory_space<hbm>>
      tpu.enqueue_dma source(%dma_start3A_378 : memref<40x128xi32, #tpu.memory_space<hbm>>) target(%arg6 : memref<40x128xi32, #tpu.memory_space<vmem>>) target_semaphore(%run_scoped3A : memref<!tpu.dma_semaphore, #tpu.memory_space<semaphore_mem>>)
      %dma_wait3A_379 = arith.constant 0 : i32
      %dma_wait3A_380 = tpu.memref_slice %arg3[%add3A_39, %dma_wait3A_379] : memref<5120x128xi32, #tpu.memory_space<hbm>> -> memref<40x128xi32, #tpu.memory_space<hbm>>
      %dma_wait3A_381 = arith.constant 0 : i32
      %dma_wait3A_382 = tpu.memref_slice %arg3[%add3A_39, %dma_wait3A_381] : memref<5120x128xi32, #tpu.memory_space<hbm>> -> memref<40x128xi32, #tpu.memory_space<hbm>>
      tpu.wait_dma2 semaphore(%run_scoped3A : memref<!tpu.dma_semaphore, #tpu.memory_space<semaphore_mem>>) src(%dma_wait3A_382 : memref<40x128xi32, #tpu.memory_space<hbm>>) dst(%arg6 : memref<40x128xi32, #tpu.memory_space<vmem>>)
      tpu.yield
    }) : () -> ()
    "tpu.region"() ({
      %run_scoped3A = tpu.sem_alloc : memref<!tpu.dma_semaphore, #tpu.memory_space<semaphore_mem>>
      %dma_start3A_375 = arith.constant 0 : i32
      %dma_start3A_376 = tpu.memref_slice %arg4[%add3A_36, %dma_start3A_375] : memref<1280x128xi32, #tpu.memory_space<hbm>> -> memref<40x128xi32, #tpu.memory_space<hbm>>
      %dma_start3A_377 = arith.constant 0 : i32
      %dma_start3A_378 = tpu.memref_slice %arg4[%add3A_36, %dma_start3A_377] : memref<1280x128xi32, #tpu.memory_space<hbm>> -> memref<40x128xi32, #tpu.memory_space<hbm>>
      tpu.enqueue_dma source(%dma_start3A_378 : memref<40x128xi32, #tpu.memory_space<hbm>>) target(%arg7 : memref<40x128xi32, #tpu.memory_space<vmem>>) target_semaphore(%run_scoped3A : memref<!tpu.dma_semaphore, #tpu.memory_space<semaphore_mem>>)
      %dma_wait3A_379 = arith.constant 0 : i32
      %dma_wait3A_380 = tpu.memref_slice %arg4[%add3A_36, %dma_wait3A_379] : memref<1280x128xi32, #tpu.memory_space<hbm>> -> memref<40x128xi32, #tpu.memory_space<hbm>>
      %dma_wait3A_381 = arith.constant 0 : i32
      %dma_wait3A_382 = tpu.memref_slice %arg4[%add3A_36, %dma_wait3A_381] : memref<1280x128xi32, #tpu.memory_space<hbm>> -> memref<40x128xi32, #tpu.memory_space<hbm>>
      tpu.wait_dma2 semaphore(%run_scoped3A : memref<!tpu.dma_semaphore, #tpu.memory_space<semaphore_mem>>) src(%dma_wait3A_382 : memref<40x128xi32, #tpu.memory_space<hbm>>) dst(%arg7 : memref<40x128xi32, #tpu.memory_space<vmem>>)
      tpu.yield
    }) : () -> ()
    %dma_start3A_40 = arith.constant 0 : i32
    %dma_start3A_41 = arith.constant 0 : i32
    %dma_start3A_42 = tpu.memref_slice %arg6[%dma_start3A_40, %dma_start3A_41] : memref<40x128xi32, #tpu.memory_space<vmem>> -> memref<1x128xi32, #tpu.memory_space<vmem>>
    %dma_start3A_43 = tpu.memref_squeeze %dma_start3A_42 : memref<1x128xi32, #tpu.memory_space<vmem>> -> memref<128xi32, #tpu.memory_space<vmem>>
    %dma_start3A_44 = arith.constant 0 : i32
    %dma_start3A_45 = arith.constant 0 : i32
    %dma_start3A_46 = tpu.memref_slice %arg2[%dma_start3A_44, %dma_start3A_45] : memref<40960x128xf32, #tpu.memory_space<hbm>> -> memref<40960x128xf32, #tpu.memory_space<hbm>>
    tpu.enqueue_indirect_dma source(%dma_start3A_46 : memref<40960x128xf32, #tpu.memory_space<hbm>>) target(%arg8 : memref<128x128xf32, #tpu.memory_space<vmem>>) offsets(%dma_start3A_43 : memref<128xi32, #tpu.memory_space<vmem>>) semaphore(%arg11 : memref<!tpu.dma_semaphore, #tpu.memory_space<semaphore_mem>>)
    %dma_start3A_47 = arith.constant 1 : i32
    %dma_start3A_48 = arith.constant 0 : i32
    %dma_start3A_49 = tpu.memref_slice %arg6[%dma_start3A_47, %dma_start3A_48] : memref<40x128xi32, #tpu.memory_space<vmem>> -> memref<1x128xi32, #tpu.memory_space<vmem>>
    %dma_start3A_50 = tpu.memref_squeeze %dma_start3A_49 : memref<1x128xi32, #tpu.memory_space<vmem>> -> memref<128xi32, #tpu.memory_space<vmem>>
    %dma_start3A_51 = arith.constant 0 : i32
    %dma_start3A_52 = arith.constant 0 : i32
    %dma_start3A_53 = tpu.memref_slice %arg2[%dma_start3A_51, %dma_start3A_52] : memref<40960x128xf32, #tpu.memory_space<hbm>> -> memref<40960x128xf32, #tpu.memory_space<hbm>>
    tpu.enqueue_indirect_dma source(%dma_start3A_53 : memref<40960x128xf32, #tpu.memory_space<hbm>>) target(%arg9 : memref<128x128xf32, #tpu.memory_space<vmem>>) offsets(%dma_start3A_50 : memref<128xi32, #tpu.memory_space<vmem>>) semaphore(%arg12 : memref<!tpu.dma_semaphore, #tpu.memory_space<semaphore_mem>>)
    %scan3A_54 = arith.constant 0 : i32
    %scan3A_55 = arith.constant 20 : i32
    %scan3A_56 = arith.addi %scan3A_54, %scan3A_55 : i32
    %scan3A_57 = arith.constant 1 : i32
    scf.for %scan3A_375 = %scan3A_54 to %scan3A_56 step %scan3A_57  : i32 {
      %mul3A_376 = arith.constant 1 : i32
      %mul3A_377 = arith.muli %scan3A_375, %mul3A_376 : i32
      %add3A_378 = arith.constant 0 : i32
      %add3A_379 = arith.addi %add3A_378, %mul3A_377 : i32
      %mul3A_380 = arith.constant 2 : i32
      %mul3A_381 = arith.muli %mul3A_380, %add3A_379 : i32
      %dma_wait3A_382 = arith.constant 0 : i32
      %dma_wait3A_383 = tpu.memref_slice %arg6[%mul3A_381, %dma_wait3A_382] : memref<40x128xi32, #tpu.memory_space<vmem>> -> memref<1x128xi32, #tpu.memory_space<vmem>>
      %dma_wait3A_384 = tpu.memref_squeeze %dma_wait3A_383 : memref<1x128xi32, #tpu.memory_space<vmem>> -> memref<128xi32, #tpu.memory_space<vmem>>
      %dma_wait3A_385 = arith.constant 0 : i32
      %dma_wait3A_386 = arith.constant 0 : i32
      %dma_wait3A_387 = tpu.memref_slice %arg2[%dma_wait3A_385, %dma_wait3A_386] : memref<40960x128xf32, #tpu.memory_space<hbm>> -> memref<40960x128xf32, #tpu.memory_space<hbm>>
      tpu.wait_indirect_dma semaphore(%arg11 : memref<!tpu.dma_semaphore, #tpu.memory_space<semaphore_mem>>) src(%dma_wait3A_387 : memref<40960x128xf32, #tpu.memory_space<hbm>>) dst(%arg8 : memref<128x128xf32, #tpu.memory_space<vmem>>)
      "tpu.region"() ({
        %run_scoped3A = tpu.sem_alloc : memref<!tpu.dma_semaphore, #tpu.memory_space<semaphore_mem>>
        %dma_start3A_411 = arith.constant 0 : i32
        %dma_start3A_412 = tpu.memref_slice %arg7[%mul3A_381, %dma_start3A_411] : memref<40x128xi32, #tpu.memory_space<vmem>> -> memref<1x128xi32, #tpu.memory_space<vmem>>
        %dma_start3A_413 = tpu.memref_squeeze %dma_start3A_412 : memref<1x128xi32, #tpu.memory_space<vmem>> -> memref<128xi32, #tpu.memory_space<vmem>>
        %dma_start3A_414 = arith.constant 0 : i32
        %dma_start3A_415 = arith.constant 0 : i32
        %dma_start3A_416 = tpu.memref_slice %arg10[%dma_start3A_414, %dma_start3A_415] : memref<10048x128xf32, #tpu.memory_space<vmem_shared>> -> memref<10048x128xf32, #tpu.memory_space<vmem_shared>>
        tpu.enqueue_indirect_dma source(%arg8 : memref<128x128xf32, #tpu.memory_space<vmem>>) target(%dma_start3A_416 : memref<10048x128xf32, #tpu.memory_space<vmem_shared>>) offsets(%dma_start3A_413 : memref<128xi32, #tpu.memory_space<vmem>>) semaphore(%run_scoped3A : memref<!tpu.dma_semaphore, #tpu.memory_space<semaphore_mem>>) {add = true}
        %dma_wait3A_417 = arith.constant 0 : i32
        %dma_wait3A_418 = tpu.memref_slice %arg7[%mul3A_381, %dma_wait3A_417] : memref<40x128xi32, #tpu.memory_space<vmem>> -> memref<1x128xi32, #tpu.memory_space<vmem>>
        %dma_wait3A_419 = tpu.memref_squeeze %dma_wait3A_418 : memref<1x128xi32, #tpu.memory_space<vmem>> -> memref<128xi32, #tpu.memory_space<vmem>>
        %dma_wait3A_420 = arith.constant 0 : i32
        %dma_wait3A_421 = arith.constant 0 : i32
        %dma_wait3A_422 = tpu.memref_slice %arg10[%dma_wait3A_420, %dma_wait3A_421] : memref<10048x128xf32, #tpu.memory_space<vmem_shared>> -> memref<10048x128xf32, #tpu.memory_space<vmem_shared>>
        tpu.wait_indirect_dma semaphore(%run_scoped3A : memref<!tpu.dma_semaphore, #tpu.memory_space<semaphore_mem>>) src(%arg8 : memref<128x128xf32, #tpu.memory_space<vmem>>) dst(%dma_wait3A_422 : memref<10048x128xf32, #tpu.memory_space<vmem_shared>>)
        tpu.yield
      }) : () -> ()
      %add3A_388 = arith.constant 2 : i32
      %add3A_389 = arith.addi %mul3A_381, %add3A_388 : i32
      %lt3A = arith.constant 40 : i32
      %lt3A_390 = arith.cmpi slt, %add3A_389, %lt3A : i32
      %convert_element_type3A_391 = arith.extui %lt3A_390 : i1 to i32
      %cond3A_392 = arith.constant 0 : i32
      %cond3A_393 = arith.cmpi ne, %convert_element_type3A_391, %cond3A_392 : i32
      scf.if %cond3A_393 {
        %add3A_411 = arith.constant 2 : i32
        %add3A_412 = arith.addi %mul3A_381, %add3A_411 : i32
        %dma_start3A_413 = arith.constant 0 : i32
        %dma_start3A_414 = tpu.memref_slice %arg6[%add3A_412, %dma_start3A_413] : memref<40x128xi32, #tpu.memory_space<vmem>> -> memref<1x128xi32, #tpu.memory_space<vmem>>
        %dma_start3A_415 = tpu.memref_squeeze %dma_start3A_414 : memref<1x128xi32, #tpu.memory_space<vmem>> -> memref<128xi32, #tpu.memory_space<vmem>>
        %dma_start3A_416 = arith.constant 0 : i32
        %dma_start3A_417 = arith.constant 0 : i32
        %dma_start3A_418 = tpu.memref_slice %arg2[%dma_start3A_416, %dma_start3A_417] : memref<40960x128xf32, #tpu.memory_space<hbm>> -> memref<40960x128xf32, #tpu.memory_space<hbm>>
        tpu.enqueue_indirect_dma source(%dma_start3A_418 : memref<40960x128xf32, #tpu.memory_space<hbm>>) target(%arg8 : memref<128x128xf32, #tpu.memory_space<vmem>>) offsets(%dma_start3A_415 : memref<128xi32, #tpu.memory_space<vmem>>) semaphore(%arg11 : memref<!tpu.dma_semaphore, #tpu.memory_space<semaphore_mem>>)
      } else {
      }
      %add3A_394 = arith.constant 1 : i32
      %add3A_395 = arith.addi %mul3A_381, %add3A_394 : i32
      %dma_wait3A_396 = arith.constant 0 : i32
      %dma_wait3A_397 = tpu.memref_slice %arg6[%add3A_395, %dma_wait3A_396] : memref<40x128xi32, #tpu.memory_space<vmem>> -> memref<1x128xi32, #tpu.memory_space<vmem>>
      %dma_wait3A_398 = tpu.memref_squeeze %dma_wait3A_397 : memref<1x128xi32, #tpu.memory_space<vmem>> -> memref<128xi32, #tpu.memory_space<vmem>>
      %dma_wait3A_399 = arith.constant 0 : i32
      %dma_wait3A_400 = arith.constant 0 : i32
      %dma_wait3A_401 = tpu.memref_slice %arg2[%dma_wait3A_399, %dma_wait3A_400] : memref<40960x128xf32, #tpu.memory_space<hbm>> -> memref<40960x128xf32, #tpu.memory_space<hbm>>
      tpu.wait_indirect_dma semaphore(%arg12 : memref<!tpu.dma_semaphore, #tpu.memory_space<semaphore_mem>>) src(%dma_wait3A_401 : memref<40960x128xf32, #tpu.memory_space<hbm>>) dst(%arg9 : memref<128x128xf32, #tpu.memory_space<vmem>>)
      %add3A_402 = arith.constant 1 : i32
      %add3A_403 = arith.addi %mul3A_381, %add3A_402 : i32
      "tpu.region"() ({
        %run_scoped3A = tpu.sem_alloc : memref<!tpu.dma_semaphore, #tpu.memory_space<semaphore_mem>>
        %dma_start3A_411 = arith.constant 0 : i32
        %dma_start3A_412 = tpu.memref_slice %arg7[%add3A_403, %dma_start3A_411] : memref<40x128xi32, #tpu.memory_space<vmem>> -> memref<1x128xi32, #tpu.memory_space<vmem>>
        %dma_start3A_413 = tpu.memref_squeeze %dma_start3A_412 : memref<1x128xi32, #tpu.memory_space<vmem>> -> memref<128xi32, #tpu.memory_space<vmem>>
        %dma_start3A_414 = arith.constant 0 : i32
        %dma_start3A_415 = arith.constant 0 : i32
        %dma_start3A_416 = tpu.memref_slice %arg10[%dma_start3A_414, %dma_start3A_415] : memref<10048x128xf32, #tpu.memory_space<vmem_shared>> -> memref<10048x128xf32, #tpu.memory_space<vmem_shared>>
        tpu.enqueue_indirect_dma source(%arg9 : memref<128x128xf32, #tpu.memory_space<vmem>>) target(%dma_start3A_416 : memref<10048x128xf32, #tpu.memory_space<vmem_shared>>) offsets(%dma_start3A_413 : memref<128xi32, #tpu.memory_space<vmem>>) semaphore(%run_scoped3A : memref<!tpu.dma_semaphore, #tpu.memory_space<semaphore_mem>>) {add = true}
        %dma_wait3A_417 = arith.constant 0 : i32
        %dma_wait3A_418 = tpu.memref_slice %arg7[%add3A_403, %dma_wait3A_417] : memref<40x128xi32, #tpu.memory_space<vmem>> -> memref<1x128xi32, #tpu.memory_space<vmem>>
        %dma_wait3A_419 = tpu.memref_squeeze %dma_wait3A_418 : memref<1x128xi32, #tpu.memory_space<vmem>> -> memref<128xi32, #tpu.memory_space<vmem>>
        %dma_wait3A_420 = arith.constant 0 : i32
        %dma_wait3A_421 = arith.constant 0 : i32
        %dma_wait3A_422 = tpu.memref_slice %arg10[%dma_wait3A_420, %dma_wait3A_421] : memref<10048x128xf32, #tpu.memory_space<vmem_shared>> -> memref<10048x128xf32, #tpu.memory_space<vmem_shared>>
        tpu.wait_indirect_dma semaphore(%run_scoped3A : memref<!tpu.dma_semaphore, #tpu.memory_space<semaphore_mem>>) src(%arg9 : memref<128x128xf32, #tpu.memory_space<vmem>>) dst(%dma_wait3A_422 : memref<10048x128xf32, #tpu.memory_space<vmem_shared>>)
        tpu.yield
      }) : () -> ()
      %add3A_404 = arith.constant 3 : i32
      %add3A_405 = arith.addi %mul3A_381, %add3A_404 : i32
      %lt3A_406 = arith.constant 40 : i32
      %lt3A_407 = arith.cmpi slt, %add3A_405, %lt3A_406 : i32
      %convert_element_type3A_408 = arith.extui %lt3A_407 : i1 to i32
      %cond3A_409 = arith.constant 0 : i32
      %cond3A_410 = arith.cmpi ne, %convert_element_type3A_408, %cond3A_409 : i32
      scf.if %cond3A_410 {
        %add3A_411 = arith.constant 3 : i32
        %add3A_412 = arith.addi %mul3A_381, %add3A_411 : i32
        %dma_start3A_413 = arith.constant 0 : i32
        %dma_start3A_414 = tpu.memref_slice %arg6[%add3A_412, %dma_start3A_413] : memref<40x128xi32, #tpu.memory_space<vmem>> -> memref<1x128xi32, #tpu.memory_space<vmem>>
        %dma_start3A_415 = tpu.memref_squeeze %dma_start3A_414 : memref<1x128xi32, #tpu.memory_space<vmem>> -> memref<128xi32, #tpu.memory_space<vmem>>
        %dma_start3A_416 = arith.constant 0 : i32
        %dma_start3A_417 = arith.constant 0 : i32
        %dma_start3A_418 = tpu.memref_slice %arg2[%dma_start3A_416, %dma_start3A_417] : memref<40960x128xf32, #tpu.memory_space<hbm>> -> memref<40960x128xf32, #tpu.memory_space<hbm>>
        tpu.enqueue_indirect_dma source(%dma_start3A_418 : memref<40960x128xf32, #tpu.memory_space<hbm>>) target(%arg9 : memref<128x128xf32, #tpu.memory_space<vmem>>) offsets(%dma_start3A_415 : memref<128xi32, #tpu.memory_space<vmem>>) semaphore(%arg12 : memref<!tpu.dma_semaphore, #tpu.memory_space<semaphore_mem>>)
      } else {
      }
    }
    %scan3A_58 = arith.constant 20 : i32
    %barrier3A_59 = arith.constant 0 : index
    tpu.barrier barrier_id(%barrier3A_59)
    %add3A_60 = arith.constant 2 : i32
    %add3A_61 = arith.addi %add3A_60, %arg0 : i32
    %mul3A_62 = arith.constant 624 : i32
    %mul3A_63 = arith.muli %arg1, %mul3A_62 : i32
    %add3A_64 = arith.constant 0 : i32
    %add3A_65 = arith.addi %mul3A_63, %add3A_64 : i32
    %mul3A_66 = arith.constant 10000 : i32
    %mul3A_67 = arith.muli %add3A_0, %mul3A_66 : i32
    %mul3A_68 = arith.constant 624 : i32
    %mul3A_69 = arith.muli %arg1, %mul3A_68 : i32
    %add3A_70 = arith.addi %mul3A_67, %mul3A_69 : i32
    %add3A_71 = arith.constant 0 : i32
    %add3A_72 = arith.addi %add3A_70, %add3A_71 : i32
    %dma_start3A_73 = arith.constant 0 : i32
    %dma_start3A_74 = tpu.memref_slice %arg5[%add3A_72, %dma_start3A_73] : memref<40000x128xf32, #tpu.memory_space<hbm>> -> memref<160x128xf32, #tpu.memory_space<hbm>>
    %dma_start3A_75 = arith.constant 0 : i32
    %dma_start3A_76 = tpu.memref_slice %arg10[%add3A_65, %dma_start3A_75] : memref<10048x128xf32, #tpu.memory_space<vmem_shared>> -> memref<160x128xf32, #tpu.memory_space<vmem_shared>>
    tpu.enqueue_dma source(%dma_start3A_76 : memref<160x128xf32, #tpu.memory_space<vmem_shared>>) target(%dma_start3A_74 : memref<160x128xf32, #tpu.memory_space<hbm>>) target_semaphore(%arg11 : memref<!tpu.dma_semaphore, #tpu.memory_space<semaphore_mem>>)
    %mul3A_77 = arith.constant 624 : i32
    %mul3A_78 = arith.muli %arg1, %mul3A_77 : i32
    %add3A_79 = arith.constant 0 : i32
    %add3A_80 = arith.addi %mul3A_78, %add3A_79 : i32
    %mul3A_81 = arith.constant 10000 : i32
    %mul3A_82 = arith.muli %add3A_0, %mul3A_81 : i32
    %mul3A_83 = arith.constant 624 : i32
    %mul3A_84 = arith.muli %arg1, %mul3A_83 : i32
    %add3A_85 = arith.addi %mul3A_82, %mul3A_84 : i32
    %add3A_86 = arith.constant 0 : i32
    %add3A_87 = arith.addi %add3A_85, %add3A_86 : i32
    %dma_wait3A = arith.constant 0 : i32
    %dma_wait3A_88 = tpu.memref_slice %arg5[%add3A_87, %dma_wait3A] : memref<40000x128xf32, #tpu.memory_space<hbm>> -> memref<160x128xf32, #tpu.memory_space<hbm>>
    %dma_wait3A_89 = arith.constant 0 : i32
    %dma_wait3A_90 = tpu.memref_slice %arg10[%add3A_80, %dma_wait3A_89] : memref<10048x128xf32, #tpu.memory_space<vmem_shared>> -> memref<160x128xf32, #tpu.memory_space<vmem_shared>>
    tpu.wait_dma2 semaphore(%arg11 : memref<!tpu.dma_semaphore, #tpu.memory_space<semaphore_mem>>) src(%dma_wait3A_90 : memref<160x128xf32, #tpu.memory_space<vmem_shared>>) dst(%dma_wait3A_88 : memref<160x128xf32, #tpu.memory_space<hbm>>)
    %mul3A_91 = arith.constant 624 : i32
    %mul3A_92 = arith.muli %arg1, %mul3A_91 : i32
    %add3A_93 = arith.constant 160 : i32
    %add3A_94 = arith.addi %mul3A_92, %add3A_93 : i32
    %mul3A_95 = arith.constant 10000 : i32
    %mul3A_96 = arith.muli %add3A_0, %mul3A_95 : i32
    %mul3A_97 = arith.constant 624 : i32
    %mul3A_98 = arith.muli %arg1, %mul3A_97 : i32
    %add3A_99 = arith.addi %mul3A_96, %mul3A_98 : i32
    %add3A_100 = arith.constant 160 : i32
    %add3A_101 = arith.addi %add3A_99, %add3A_100 : i32
    %dma_start3A_102 = arith.constant 0 : i32
    %dma_start3A_103 = tpu.memref_slice %arg5[%add3A_101, %dma_start3A_102] : memref<40000x128xf32, #tpu.memory_space<hbm>> -> memref<160x128xf32, #tpu.memory_space<hbm>>
    %dma_start3A_104 = arith.constant 0 : i32
    %dma_start3A_105 = tpu.memref_slice %arg10[%add3A_94, %dma_start3A_104] : memref<10048x128xf32, #tpu.memory_space<vmem_shared>> -> memref<160x128xf32, #tpu.memory_space<vmem_shared>>
    tpu.enqueue_dma source(%dma_start3A_105 : memref<160x128xf32, #tpu.memory_space<vmem_shared>>) target(%dma_start3A_103 : memref<160x128xf32, #tpu.memory_space<hbm>>) target_semaphore(%arg11 : memref<!tpu.dma_semaphore, #tpu.memory_space<semaphore_mem>>)
    %mul3A_106 = arith.constant 10240 : i32
    %mul3A_107 = arith.muli %add3A_61, %mul3A_106 : i32
    %mul3A_108 = arith.constant 624 : i32
    %mul3A_109 = arith.muli %arg1, %mul3A_108 : i32
    %add3A_110 = arith.addi %mul3A_107, %mul3A_109 : i32
    %add3A_111 = arith.constant 0 : i32
    %add3A_112 = arith.addi %add3A_110, %add3A_111 : i32
    %mul3A_113 = arith.constant 624 : i32
    %mul3A_114 = arith.muli %arg1, %mul3A_113 : i32
    %add3A_115 = arith.constant 0 : i32
    %add3A_116 = arith.addi %mul3A_114, %add3A_115 : i32
    %dma_start3A_117 = arith.constant 0 : i32
    %dma_start3A_118 = tpu.memref_slice %arg10[%add3A_116, %dma_start3A_117] : memref<10048x128xf32, #tpu.memory_space<vmem_shared>> -> memref<160x128xf32, #tpu.memory_space<vmem_shared>>
    %dma_start3A_119 = arith.constant 0 : i32
    %dma_start3A_120 = tpu.memref_slice %arg2[%add3A_112, %dma_start3A_119] : memref<40960x128xf32, #tpu.memory_space<hbm>> -> memref<160x128xf32, #tpu.memory_space<hbm>>
    tpu.enqueue_dma source(%dma_start3A_120 : memref<160x128xf32, #tpu.memory_space<hbm>>) target(%dma_start3A_118 : memref<160x128xf32, #tpu.memory_space<vmem_shared>>) target_semaphore(%arg12 : memref<!tpu.dma_semaphore, #tpu.memory_space<semaphore_mem>>)
    %mul3A_121 = arith.constant 624 : i32
    %mul3A_122 = arith.muli %arg1, %mul3A_121 : i32
    %add3A_123 = arith.constant 160 : i32
    %add3A_124 = arith.addi %mul3A_122, %add3A_123 : i32
    %mul3A_125 = arith.constant 10000 : i32
    %mul3A_126 = arith.muli %add3A_0, %mul3A_125 : i32
    %mul3A_127 = arith.constant 624 : i32
    %mul3A_128 = arith.muli %arg1, %mul3A_127 : i32
    %add3A_129 = arith.addi %mul3A_126, %mul3A_128 : i32
    %add3A_130 = arith.constant 160 : i32
    %add3A_131 = arith.addi %add3A_129, %add3A_130 : i32
    %dma_wait3A_132 = arith.constant 0 : i32
    %dma_wait3A_133 = tpu.memref_slice %arg5[%add3A_131, %dma_wait3A_132] : memref<40000x128xf32, #tpu.memory_space<hbm>> -> memref<160x128xf32, #tpu.memory_space<hbm>>
    %dma_wait3A_134 = arith.constant 0 : i32
    %dma_wait3A_135 = tpu.memref_slice %arg10[%add3A_124, %dma_wait3A_134] : memref<10048x128xf32, #tpu.memory_space<vmem_shared>> -> memref<160x128xf32, #tpu.memory_space<vmem_shared>>
    tpu.wait_dma2 semaphore(%arg11 : memref<!tpu.dma_semaphore, #tpu.memory_space<semaphore_mem>>) src(%dma_wait3A_135 : memref<160x128xf32, #tpu.memory_space<vmem_shared>>) dst(%dma_wait3A_133 : memref<160x128xf32, #tpu.memory_space<hbm>>)
    %mul3A_136 = arith.constant 624 : i32
    %mul3A_137 = arith.muli %arg1, %mul3A_136 : i32
    %add3A_138 = arith.constant 320 : i32
    %add3A_139 = arith.addi %mul3A_137, %add3A_138 : i32
    %mul3A_140 = arith.constant 10000 : i32
    %mul3A_141 = arith.muli %add3A_0, %mul3A_140 : i32
    %mul3A_142 = arith.constant 624 : i32
    %mul3A_143 = arith.muli %arg1, %mul3A_142 : i32
    %add3A_144 = arith.addi %mul3A_141, %mul3A_143 : i32
    %add3A_145 = arith.constant 320 : i32
    %add3A_146 = arith.addi %add3A_144, %add3A_145 : i32
    %dma_start3A_147 = arith.constant 0 : i32
    %dma_start3A_148 = tpu.memref_slice %arg5[%add3A_146, %dma_start3A_147] : memref<40000x128xf32, #tpu.memory_space<hbm>> -> memref<160x128xf32, #tpu.memory_space<hbm>>
    %dma_start3A_149 = arith.constant 0 : i32
    %dma_start3A_150 = tpu.memref_slice %arg10[%add3A_139, %dma_start3A_149] : memref<10048x128xf32, #tpu.memory_space<vmem_shared>> -> memref<160x128xf32, #tpu.memory_space<vmem_shared>>
    tpu.enqueue_dma source(%dma_start3A_150 : memref<160x128xf32, #tpu.memory_space<vmem_shared>>) target(%dma_start3A_148 : memref<160x128xf32, #tpu.memory_space<hbm>>) target_semaphore(%arg11 : memref<!tpu.dma_semaphore, #tpu.memory_space<semaphore_mem>>)
    %mul3A_151 = arith.constant 10240 : i32
    %mul3A_152 = arith.muli %add3A_61, %mul3A_151 : i32
    %mul3A_153 = arith.constant 624 : i32
    %mul3A_154 = arith.muli %arg1, %mul3A_153 : i32
    %add3A_155 = arith.addi %mul3A_152, %mul3A_154 : i32
    %add3A_156 = arith.constant 160 : i32
    %add3A_157 = arith.addi %add3A_155, %add3A_156 : i32
    %mul3A_158 = arith.constant 624 : i32
    %mul3A_159 = arith.muli %arg1, %mul3A_158 : i32
    %add3A_160 = arith.constant 160 : i32
    %add3A_161 = arith.addi %mul3A_159, %add3A_160 : i32
    %dma_start3A_162 = arith.constant 0 : i32
    %dma_start3A_163 = tpu.memref_slice %arg10[%add3A_161, %dma_start3A_162] : memref<10048x128xf32, #tpu.memory_space<vmem_shared>> -> memref<160x128xf32, #tpu.memory_space<vmem_shared>>
    %dma_start3A_164 = arith.constant 0 : i32
    %dma_start3A_165 = tpu.memref_slice %arg2[%add3A_157, %dma_start3A_164] : memref<40960x128xf32, #tpu.memory_space<hbm>> -> memref<160x128xf32, #tpu.memory_space<hbm>>
    tpu.enqueue_dma source(%dma_start3A_165 : memref<160x128xf32, #tpu.memory_space<hbm>>) target(%dma_start3A_163 : memref<160x128xf32, #tpu.memory_space<vmem_shared>>) target_semaphore(%arg12 : memref<!tpu.dma_semaphore, #tpu.memory_space<semaphore_mem>>)
    %mul3A_166 = arith.constant 624 : i32
    %mul3A_167 = arith.muli %arg1, %mul3A_166 : i32
    %add3A_168 = arith.constant 320 : i32
    %add3A_169 = arith.addi %mul3A_167, %add3A_168 : i32
    %mul3A_170 = arith.constant 10000 : i32
    %mul3A_171 = arith.muli %add3A_0, %mul3A_170 : i32
    %mul3A_172 = arith.constant 624 : i32
    %mul3A_173 = arith.muli %arg1, %mul3A_172 : i32
    %add3A_174 = arith.addi %mul3A_171, %mul3A_173 : i32
    %add3A_175 = arith.constant 320 : i32
    %add3A_176 = arith.addi %add3A_174, %add3A_175 : i32
    %dma_wait3A_177 = arith.constant 0 : i32
    %dma_wait3A_178 = tpu.memref_slice %arg5[%add3A_176, %dma_wait3A_177] : memref<40000x128xf32, #tpu.memory_space<hbm>> -> memref<160x128xf32, #tpu.memory_space<hbm>>
    %dma_wait3A_179 = arith.constant 0 : i32
    %dma_wait3A_180 = tpu.memref_slice %arg10[%add3A_169, %dma_wait3A_179] : memref<10048x128xf32, #tpu.memory_space<vmem_shared>> -> memref<160x128xf32, #tpu.memory_space<vmem_shared>>
    tpu.wait_dma2 semaphore(%arg11 : memref<!tpu.dma_semaphore, #tpu.memory_space<semaphore_mem>>) src(%dma_wait3A_180 : memref<160x128xf32, #tpu.memory_space<vmem_shared>>) dst(%dma_wait3A_178 : memref<160x128xf32, #tpu.memory_space<hbm>>)
    %mul3A_181 = arith.constant 624 : i32
    %mul3A_182 = arith.muli %arg1, %mul3A_181 : i32
    %add3A_183 = arith.constant 480 : i32
    %add3A_184 = arith.addi %mul3A_182, %add3A_183 : i32
    %mul3A_185 = arith.constant 10000 : i32
    %mul3A_186 = arith.muli %add3A_0, %mul3A_185 : i32
    %mul3A_187 = arith.constant 624 : i32
    %mul3A_188 = arith.muli %arg1, %mul3A_187 : i32
    %add3A_189 = arith.addi %mul3A_186, %mul3A_188 : i32
    %add3A_190 = arith.constant 480 : i32
    %add3A_191 = arith.addi %add3A_189, %add3A_190 : i32
    %dma_start3A_192 = arith.constant 0 : i32
    %dma_start3A_193 = tpu.memref_slice %arg5[%add3A_191, %dma_start3A_192] : memref<40000x128xf32, #tpu.memory_space<hbm>> -> memref<144x128xf32, #tpu.memory_space<hbm>>
    %dma_start3A_194 = arith.constant 0 : i32
    %dma_start3A_195 = tpu.memref_slice %arg10[%add3A_184, %dma_start3A_194] : memref<10048x128xf32, #tpu.memory_space<vmem_shared>> -> memref<144x128xf32, #tpu.memory_space<vmem_shared>>
    tpu.enqueue_dma source(%dma_start3A_195 : memref<144x128xf32, #tpu.memory_space<vmem_shared>>) target(%dma_start3A_193 : memref<144x128xf32, #tpu.memory_space<hbm>>) target_semaphore(%arg11 : memref<!tpu.dma_semaphore, #tpu.memory_space<semaphore_mem>>)
    %mul3A_196 = arith.constant 10240 : i32
    %mul3A_197 = arith.muli %add3A_61, %mul3A_196 : i32
    %mul3A_198 = arith.constant 624 : i32
    %mul3A_199 = arith.muli %arg1, %mul3A_198 : i32
    %add3A_200 = arith.addi %mul3A_197, %mul3A_199 : i32
    %add3A_201 = arith.constant 320 : i32
    %add3A_202 = arith.addi %add3A_200, %add3A_201 : i32
    %mul3A_203 = arith.constant 624 : i32
    %mul3A_204 = arith.muli %arg1, %mul3A_203 : i32
    %add3A_205 = arith.constant 320 : i32
    %add3A_206 = arith.addi %mul3A_204, %add3A_205 : i32
    %dma_start3A_207 = arith.constant 0 : i32
    %dma_start3A_208 = tpu.memref_slice %arg10[%add3A_206, %dma_start3A_207] : memref<10048x128xf32, #tpu.memory_space<vmem_shared>> -> memref<160x128xf32, #tpu.memory_space<vmem_shared>>
    %dma_start3A_209 = arith.constant 0 : i32
    %dma_start3A_210 = tpu.memref_slice %arg2[%add3A_202, %dma_start3A_209] : memref<40960x128xf32, #tpu.memory_space<hbm>> -> memref<160x128xf32, #tpu.memory_space<hbm>>
    tpu.enqueue_dma source(%dma_start3A_210 : memref<160x128xf32, #tpu.memory_space<hbm>>) target(%dma_start3A_208 : memref<160x128xf32, #tpu.memory_space<vmem_shared>>) target_semaphore(%arg12 : memref<!tpu.dma_semaphore, #tpu.memory_space<semaphore_mem>>)
    %mul3A_211 = arith.constant 624 : i32
    %mul3A_212 = arith.muli %arg1, %mul3A_211 : i32
    %add3A_213 = arith.constant 480 : i32
    %add3A_214 = arith.addi %mul3A_212, %add3A_213 : i32
    %mul3A_215 = arith.constant 10000 : i32
    %mul3A_216 = arith.muli %add3A_0, %mul3A_215 : i32
    %mul3A_217 = arith.constant 624 : i32
    %mul3A_218 = arith.muli %arg1, %mul3A_217 : i32
    %add3A_219 = arith.addi %mul3A_216, %mul3A_218 : i32
    %add3A_220 = arith.constant 480 : i32
    %add3A_221 = arith.addi %add3A_219, %add3A_220 : i32
    %dma_wait3A_222 = arith.constant 0 : i32
    %dma_wait3A_223 = tpu.memref_slice %arg5[%add3A_221, %dma_wait3A_222] : memref<40000x128xf32, #tpu.memory_space<hbm>> -> memref<144x128xf32, #tpu.memory_space<hbm>>
    %dma_wait3A_224 = arith.constant 0 : i32
    %dma_wait3A_225 = tpu.memref_slice %arg10[%add3A_214, %dma_wait3A_224] : memref<10048x128xf32, #tpu.memory_space<vmem_shared>> -> memref<144x128xf32, #tpu.memory_space<vmem_shared>>
    tpu.wait_dma2 semaphore(%arg11 : memref<!tpu.dma_semaphore, #tpu.memory_space<semaphore_mem>>) src(%dma_wait3A_225 : memref<144x128xf32, #tpu.memory_space<vmem_shared>>) dst(%dma_wait3A_223 : memref<144x128xf32, #tpu.memory_space<hbm>>)
    %mul3A_226 = arith.constant 10240 : i32
    %mul3A_227 = arith.muli %add3A_61, %mul3A_226 : i32
    %mul3A_228 = arith.constant 624 : i32
    %mul3A_229 = arith.muli %arg1, %mul3A_228 : i32
    %add3A_230 = arith.addi %mul3A_227, %mul3A_229 : i32
    %add3A_231 = arith.constant 480 : i32
    %add3A_232 = arith.addi %add3A_230, %add3A_231 : i32
    %mul3A_233 = arith.constant 624 : i32
    %mul3A_234 = arith.muli %arg1, %mul3A_233 : i32
    %add3A_235 = arith.constant 480 : i32
    %add3A_236 = arith.addi %mul3A_234, %add3A_235 : i32
    %dma_start3A_237 = arith.constant 0 : i32
    %dma_start3A_238 = tpu.memref_slice %arg10[%add3A_236, %dma_start3A_237] : memref<10048x128xf32, #tpu.memory_space<vmem_shared>> -> memref<144x128xf32, #tpu.memory_space<vmem_shared>>
    %dma_start3A_239 = arith.constant 0 : i32
    %dma_start3A_240 = tpu.memref_slice %arg2[%add3A_232, %dma_start3A_239] : memref<40960x128xf32, #tpu.memory_space<hbm>> -> memref<144x128xf32, #tpu.memory_space<hbm>>
    tpu.enqueue_dma source(%dma_start3A_240 : memref<144x128xf32, #tpu.memory_space<hbm>>) target(%dma_start3A_238 : memref<144x128xf32, #tpu.memory_space<vmem_shared>>) target_semaphore(%arg12 : memref<!tpu.dma_semaphore, #tpu.memory_space<semaphore_mem>>)
    %eq3A_241 = arith.constant 15 : i32
    %eq3A_242 = arith.cmpi eq, %arg1, %eq3A_241 : i32
    %convert_element_type3A_243 = arith.extui %eq3A_242 : i1 to i32
    %cond3A_244 = arith.constant 0 : i32
    %cond3A_245 = arith.cmpi ne, %convert_element_type3A_243, %cond3A_244 : i32
    scf.if %cond3A_245 {
      %mul3A_375 = arith.constant 10000 : i32
      %mul3A_376 = arith.muli %add3A_0, %mul3A_375 : i32
      %add3A_377 = arith.constant 9984 : i32
      %add3A_378 = arith.addi %mul3A_376, %add3A_377 : i32
      "tpu.region"() ({
        %run_scoped3A = tpu.sem_alloc : memref<!tpu.dma_semaphore, #tpu.memory_space<semaphore_mem>>
        %dma_start3A_383 = arith.constant 0 : i32
        %dma_start3A_384 = tpu.memref_slice %arg5[%add3A_378, %dma_start3A_383] : memref<40000x128xf32, #tpu.memory_space<hbm>> -> memref<16x128xf32, #tpu.memory_space<hbm>>
        %dma_start3A_385 = arith.constant 9984 : i32
        %dma_start3A_386 = arith.constant 0 : i32
        %dma_start3A_387 = tpu.memref_slice %arg10[%dma_start3A_385, %dma_start3A_386] : memref<10048x128xf32, #tpu.memory_space<vmem_shared>> -> memref<16x128xf32, #tpu.memory_space<vmem_shared>>
        tpu.enqueue_dma source(%dma_start3A_387 : memref<16x128xf32, #tpu.memory_space<vmem_shared>>) target(%dma_start3A_384 : memref<16x128xf32, #tpu.memory_space<hbm>>) target_semaphore(%run_scoped3A : memref<!tpu.dma_semaphore, #tpu.memory_space<semaphore_mem>>)
        %dma_wait3A_388 = arith.constant 0 : i32
        %dma_wait3A_389 = tpu.memref_slice %arg5[%add3A_378, %dma_wait3A_388] : memref<40000x128xf32, #tpu.memory_space<hbm>> -> memref<16x128xf32, #tpu.memory_space<hbm>>
        %dma_wait3A_390 = arith.constant 9984 : i32
        %dma_wait3A_391 = arith.constant 0 : i32
        %dma_wait3A_392 = tpu.memref_slice %arg10[%dma_wait3A_390, %dma_wait3A_391] : memref<10048x128xf32, #tpu.memory_space<vmem_shared>> -> memref<16x128xf32, #tpu.memory_space<vmem_shared>>
        tpu.wait_dma2 semaphore(%run_scoped3A : memref<!tpu.dma_semaphore, #tpu.memory_space<semaphore_mem>>) src(%dma_wait3A_392 : memref<16x128xf32, #tpu.memory_space<vmem_shared>>) dst(%dma_wait3A_389 : memref<16x128xf32, #tpu.memory_space<hbm>>)
        tpu.yield
      }) : () -> ()
      %mul3A_379 = arith.constant 10240 : i32
      %mul3A_380 = arith.muli %add3A_61, %mul3A_379 : i32
      %add3A_381 = arith.constant 9984 : i32
      %add3A_382 = arith.addi %mul3A_380, %add3A_381 : i32
      "tpu.region"() ({
        %run_scoped3A = tpu.sem_alloc : memref<!tpu.dma_semaphore, #tpu.memory_space<semaphore_mem>>
        %dma_start3A_383 = arith.constant 9984 : i32
        %dma_start3A_384 = arith.constant 0 : i32
        %dma_start3A_385 = tpu.memref_slice %arg10[%dma_start3A_383, %dma_start3A_384] : memref<10048x128xf32, #tpu.memory_space<vmem_shared>> -> memref<16x128xf32, #tpu.memory_space<vmem_shared>>
        %dma_start3A_386 = arith.constant 0 : i32
        %dma_start3A_387 = tpu.memref_slice %arg2[%add3A_382, %dma_start3A_386] : memref<40960x128xf32, #tpu.memory_space<hbm>> -> memref<16x128xf32, #tpu.memory_space<hbm>>
        tpu.enqueue_dma source(%dma_start3A_387 : memref<16x128xf32, #tpu.memory_space<hbm>>) target(%dma_start3A_385 : memref<16x128xf32, #tpu.memory_space<vmem_shared>>) target_semaphore(%run_scoped3A : memref<!tpu.dma_semaphore, #tpu.memory_space<semaphore_mem>>)
        %dma_wait3A_388 = arith.constant 9984 : i32
        %dma_wait3A_389 = arith.constant 0 : i32
        %dma_wait3A_390 = tpu.memref_slice %arg10[%dma_wait3A_388, %dma_wait3A_389] : memref<10048x128xf32, #tpu.memory_space<vmem_shared>> -> memref<16x128xf32, #tpu.memory_space<vmem_shared>>
        %dma_wait3A_391 = arith.constant 0 : i32
        %dma_wait3A_392 = tpu.memref_slice %arg2[%add3A_382, %dma_wait3A_391] : memref<40960x128xf32, #tpu.memory_space<hbm>> -> memref<16x128xf32, #tpu.memory_space<hbm>>
        tpu.wait_dma2 semaphore(%run_scoped3A : memref<!tpu.dma_semaphore, #tpu.memory_space<semaphore_mem>>) src(%dma_wait3A_392 : memref<16x128xf32, #tpu.memory_space<hbm>>) dst(%dma_wait3A_390 : memref<16x128xf32, #tpu.memory_space<vmem_shared>>)
        tpu.yield
      }) : () -> ()
    } else {
    }
    %mul3A_246 = arith.constant 10240 : i32
    %mul3A_247 = arith.muli %add3A_61, %mul3A_246 : i32
    %mul3A_248 = arith.constant 624 : i32
    %mul3A_249 = arith.muli %arg1, %mul3A_248 : i32
    %add3A_250 = arith.addi %mul3A_247, %mul3A_249 : i32
    %add3A_251 = arith.constant 0 : i32
    %add3A_252 = arith.addi %add3A_250, %add3A_251 : i32
    %mul3A_253 = arith.constant 624 : i32
    %mul3A_254 = arith.muli %arg1, %mul3A_253 : i32
    %add3A_255 = arith.constant 0 : i32
    %add3A_256 = arith.addi %mul3A_254, %add3A_255 : i32
    %dma_wait3A_257 = arith.constant 0 : i32
    %dma_wait3A_258 = tpu.memref_slice %arg10[%add3A_256, %dma_wait3A_257] : memref<10048x128xf32, #tpu.memory_space<vmem_shared>> -> memref<160x128xf32, #tpu.memory_space<vmem_shared>>
    %dma_wait3A_259 = arith.constant 0 : i32
    %dma_wait3A_260 = tpu.memref_slice %arg2[%add3A_252, %dma_wait3A_259] : memref<40960x128xf32, #tpu.memory_space<hbm>> -> memref<160x128xf32, #tpu.memory_space<hbm>>
    tpu.wait_dma2 semaphore(%arg12 : memref<!tpu.dma_semaphore, #tpu.memory_space<semaphore_mem>>) src(%dma_wait3A_260 : memref<160x128xf32, #tpu.memory_space<hbm>>) dst(%dma_wait3A_258 : memref<160x128xf32, #tpu.memory_space<vmem_shared>>)
    %mul3A_261 = arith.constant 10240 : i32
    %mul3A_262 = arith.muli %add3A_61, %mul3A_261 : i32
    %mul3A_263 = arith.constant 624 : i32
    %mul3A_264 = arith.muli %arg1, %mul3A_263 : i32
    %add3A_265 = arith.addi %mul3A_262, %mul3A_264 : i32
    %add3A_266 = arith.constant 160 : i32
    %add3A_267 = arith.addi %add3A_265, %add3A_266 : i32
    %mul3A_268 = arith.constant 624 : i32
    %mul3A_269 = arith.muli %arg1, %mul3A_268 : i32
    %add3A_270 = arith.constant 160 : i32
    %add3A_271 = arith.addi %mul3A_269, %add3A_270 : i32
    %dma_wait3A_272 = arith.constant 0 : i32
    %dma_wait3A_273 = tpu.memref_slice %arg10[%add3A_271, %dma_wait3A_272] : memref<10048x128xf32, #tpu.memory_space<vmem_shared>> -> memref<160x128xf32, #tpu.memory_space<vmem_shared>>
    %dma_wait3A_274 = arith.constant 0 : i32
    %dma_wait3A_275 = tpu.memref_slice %arg2[%add3A_267, %dma_wait3A_274] : memref<40960x128xf32, #tpu.memory_space<hbm>> -> memref<160x128xf32, #tpu.memory_space<hbm>>
    tpu.wait_dma2 semaphore(%arg12 : memref<!tpu.dma_semaphore, #tpu.memory_space<semaphore_mem>>) src(%dma_wait3A_275 : memref<160x128xf32, #tpu.memory_space<hbm>>) dst(%dma_wait3A_273 : memref<160x128xf32, #tpu.memory_space<vmem_shared>>)
    %mul3A_276 = arith.constant 10240 : i32
    %mul3A_277 = arith.muli %add3A_61, %mul3A_276 : i32
    %mul3A_278 = arith.constant 624 : i32
    %mul3A_279 = arith.muli %arg1, %mul3A_278 : i32
    %add3A_280 = arith.addi %mul3A_277, %mul3A_279 : i32
    %add3A_281 = arith.constant 320 : i32
    %add3A_282 = arith.addi %add3A_280, %add3A_281 : i32
    %mul3A_283 = arith.constant 624 : i32
    %mul3A_284 = arith.muli %arg1, %mul3A_283 : i32
    %add3A_285 = arith.constant 320 : i32
    %add3A_286 = arith.addi %mul3A_284, %add3A_285 : i32
    %dma_wait3A_287 = arith.constant 0 : i32
    %dma_wait3A_288 = tpu.memref_slice %arg10[%add3A_286, %dma_wait3A_287] : memref<10048x128xf32, #tpu.memory_space<vmem_shared>> -> memref<160x128xf32, #tpu.memory_space<vmem_shared>>
    %dma_wait3A_289 = arith.constant 0 : i32
    %dma_wait3A_290 = tpu.memref_slice %arg2[%add3A_282, %dma_wait3A_289] : memref<40960x128xf32, #tpu.memory_space<hbm>> -> memref<160x128xf32, #tpu.memory_space<hbm>>
    tpu.wait_dma2 semaphore(%arg12 : memref<!tpu.dma_semaphore, #tpu.memory_space<semaphore_mem>>) src(%dma_wait3A_290 : memref<160x128xf32, #tpu.memory_space<hbm>>) dst(%dma_wait3A_288 : memref<160x128xf32, #tpu.memory_space<vmem_shared>>)
    %mul3A_291 = arith.constant 10240 : i32
    %mul3A_292 = arith.muli %add3A_61, %mul3A_291 : i32
    %mul3A_293 = arith.constant 624 : i32
    %mul3A_294 = arith.muli %arg1, %mul3A_293 : i32
    %add3A_295 = arith.addi %mul3A_292, %mul3A_294 : i32
    %add3A_296 = arith.constant 480 : i32
    %add3A_297 = arith.addi %add3A_295, %add3A_296 : i32
    %mul3A_298 = arith.constant 624 : i32
    %mul3A_299 = arith.muli %arg1, %mul3A_298 : i32
    %add3A_300 = arith.constant 480 : i32
    %add3A_301 = arith.addi %mul3A_299, %add3A_300 : i32
    %dma_wait3A_302 = arith.constant 0 : i32
    %dma_wait3A_303 = tpu.memref_slice %arg10[%add3A_301, %dma_wait3A_302] : memref<10048x128xf32, #tpu.memory_space<vmem_shared>> -> memref<144x128xf32, #tpu.memory_space<vmem_shared>>
    %dma_wait3A_304 = arith.constant 0 : i32
    %dma_wait3A_305 = tpu.memref_slice %arg2[%add3A_297, %dma_wait3A_304] : memref<40960x128xf32, #tpu.memory_space<hbm>> -> memref<144x128xf32, #tpu.memory_space<hbm>>
    tpu.wait_dma2 semaphore(%arg12 : memref<!tpu.dma_semaphore, #tpu.memory_space<semaphore_mem>>) src(%dma_wait3A_305 : memref<144x128xf32, #tpu.memory_space<hbm>>) dst(%dma_wait3A_303 : memref<144x128xf32, #tpu.memory_space<vmem_shared>>)
    %barrier3A_306 = arith.constant 0 : index
    tpu.barrier barrier_id(%barrier3A_306)
    %add3A_307 = arith.constant 2 : i32
    %add3A_308 = arith.addi %add3A_307, %arg0 : i32
    %mul3A_309 = arith.constant 80 : i32
    %mul3A_310 = arith.muli %arg1, %mul3A_309 : i32
    %add3A_311 = arith.constant 0 : i32
    %add3A_312 = arith.addi %mul3A_310, %add3A_311 : i32
    %mul3A_313 = arith.constant 1280 : i32
    %mul3A_314 = arith.muli %add3A_308, %mul3A_313 : i32
    %add3A_315 = arith.addi %mul3A_314, %add3A_312 : i32
    "tpu.region"() ({
      %run_scoped3A = tpu.sem_alloc : memref<!tpu.dma_semaphore, #tpu.memory_space<semaphore_mem>>
      %dma_start3A_375 = arith.constant 0 : i32
      %dma_start3A_376 = tpu.memref_slice %arg3[%add3A_315, %dma_start3A_375] : memref<5120x128xi32, #tpu.memory_space<hbm>> -> memref<40x128xi32, #tpu.memory_space<hbm>>
      %dma_start3A_377 = arith.constant 0 : i32
      %dma_start3A_378 = tpu.memref_slice %arg3[%add3A_315, %dma_start3A_377] : memref<5120x128xi32, #tpu.memory_space<hbm>> -> memref<40x128xi32, #tpu.memory_space<hbm>>
      tpu.enqueue_dma source(%dma_start3A_378 : memref<40x128xi32, #tpu.memory_space<hbm>>) target(%arg6 : memref<40x128xi32, #tpu.memory_space<vmem>>) target_semaphore(%run_scoped3A : memref<!tpu.dma_semaphore, #tpu.memory_space<semaphore_mem>>)
      %dma_wait3A_379 = arith.constant 0 : i32
      %dma_wait3A_380 = tpu.memref_slice %arg3[%add3A_315, %dma_wait3A_379] : memref<5120x128xi32, #tpu.memory_space<hbm>> -> memref<40x128xi32, #tpu.memory_space<hbm>>
      %dma_wait3A_381 = arith.constant 0 : i32
      %dma_wait3A_382 = tpu.memref_slice %arg3[%add3A_315, %dma_wait3A_381] : memref<5120x128xi32, #tpu.memory_space<hbm>> -> memref<40x128xi32, #tpu.memory_space<hbm>>
      tpu.wait_dma2 semaphore(%run_scoped3A : memref<!tpu.dma_semaphore, #tpu.memory_space<semaphore_mem>>) src(%dma_wait3A_382 : memref<40x128xi32, #tpu.memory_space<hbm>>) dst(%arg6 : memref<40x128xi32, #tpu.memory_space<vmem>>)
      tpu.yield
    }) : () -> ()
    "tpu.region"() ({
      %run_scoped3A = tpu.sem_alloc : memref<!tpu.dma_semaphore, #tpu.memory_space<semaphore_mem>>
      %dma_start3A_375 = arith.constant 0 : i32
      %dma_start3A_376 = tpu.memref_slice %arg4[%add3A_312, %dma_start3A_375] : memref<1280x128xi32, #tpu.memory_space<hbm>> -> memref<40x128xi32, #tpu.memory_space<hbm>>
      %dma_start3A_377 = arith.constant 0 : i32
      %dma_start3A_378 = tpu.memref_slice %arg4[%add3A_312, %dma_start3A_377] : memref<1280x128xi32, #tpu.memory_space<hbm>> -> memref<40x128xi32, #tpu.memory_space<hbm>>
      tpu.enqueue_dma source(%dma_start3A_378 : memref<40x128xi32, #tpu.memory_space<hbm>>) target(%arg7 : memref<40x128xi32, #tpu.memory_space<vmem>>) target_semaphore(%run_scoped3A : memref<!tpu.dma_semaphore, #tpu.memory_space<semaphore_mem>>)
      %dma_wait3A_379 = arith.constant 0 : i32
      %dma_wait3A_380 = tpu.memref_slice %arg4[%add3A_312, %dma_wait3A_379] : memref<1280x128xi32, #tpu.memory_space<hbm>> -> memref<40x128xi32, #tpu.memory_space<hbm>>
      %dma_wait3A_381 = arith.constant 0 : i32
      %dma_wait3A_382 = tpu.memref_slice %arg4[%add3A_312, %dma_wait3A_381] : memref<1280x128xi32, #tpu.memory_space<hbm>> -> memref<40x128xi32, #tpu.memory_space<hbm>>
      tpu.wait_dma2 semaphore(%run_scoped3A : memref<!tpu.dma_semaphore, #tpu.memory_space<semaphore_mem>>) src(%dma_wait3A_382 : memref<40x128xi32, #tpu.memory_space<hbm>>) dst(%arg7 : memref<40x128xi32, #tpu.memory_space<vmem>>)
      tpu.yield
    }) : () -> ()
    %barrier3A_316 = arith.constant 0 : index
    tpu.barrier barrier_id(%barrier3A_316)
    %dma_start3A_317 = arith.constant 0 : i32
    %dma_start3A_318 = arith.constant 0 : i32
    %dma_start3A_319 = tpu.memref_slice %arg6[%dma_start3A_317, %dma_start3A_318] : memref<40x128xi32, #tpu.memory_space<vmem>> -> memref<1x128xi32, #tpu.memory_space<vmem>>
    %dma_start3A_320 = tpu.memref_squeeze %dma_start3A_319 : memref<1x128xi32, #tpu.memory_space<vmem>> -> memref<128xi32, #tpu.memory_space<vmem>>
    %dma_start3A_321 = arith.constant 0 : i32
    %dma_start3A_322 = arith.constant 0 : i32
    %dma_start3A_323 = tpu.memref_slice %arg2[%dma_start3A_321, %dma_start3A_322] : memref<40960x128xf32, #tpu.memory_space<hbm>> -> memref<40960x128xf32, #tpu.memory_space<hbm>>
    tpu.enqueue_indirect_dma source(%dma_start3A_323 : memref<40960x128xf32, #tpu.memory_space<hbm>>) target(%arg8 : memref<128x128xf32, #tpu.memory_space<vmem>>) offsets(%dma_start3A_320 : memref<128xi32, #tpu.memory_space<vmem>>) semaphore(%arg11 : memref<!tpu.dma_semaphore, #tpu.memory_space<semaphore_mem>>)
    %dma_start3A_324 = arith.constant 1 : i32
    %dma_start3A_325 = arith.constant 0 : i32
    %dma_start3A_326 = tpu.memref_slice %arg6[%dma_start3A_324, %dma_start3A_325] : memref<40x128xi32, #tpu.memory_space<vmem>> -> memref<1x128xi32, #tpu.memory_space<vmem>>
    %dma_start3A_327 = tpu.memref_squeeze %dma_start3A_326 : memref<1x128xi32, #tpu.memory_space<vmem>> -> memref<128xi32, #tpu.memory_space<vmem>>
    %dma_start3A_328 = arith.constant 0 : i32
    %dma_start3A_329 = arith.constant 0 : i32
    %dma_start3A_330 = tpu.memref_slice %arg2[%dma_start3A_328, %dma_start3A_329] : memref<40960x128xf32, #tpu.memory_space<hbm>> -> memref<40960x128xf32, #tpu.memory_space<hbm>>
    tpu.enqueue_indirect_dma source(%dma_start3A_330 : memref<40960x128xf32, #tpu.memory_space<hbm>>) target(%arg9 : memref<128x128xf32, #tpu.memory_space<vmem>>) offsets(%dma_start3A_327 : memref<128xi32, #tpu.memory_space<vmem>>) semaphore(%arg12 : memref<!tpu.dma_semaphore, #tpu.memory_space<semaphore_mem>>)
    %scan3A_331 = arith.constant 0 : i32
    %scan3A_332 = arith.constant 20 : i32
    %scan3A_333 = arith.addi %scan3A_331, %scan3A_332 : i32
    %scan3A_334 = arith.constant 1 : i32
    scf.for %scan3A_375 = %scan3A_331 to %scan3A_333 step %scan3A_334  : i32 {
      %mul3A_376 = arith.constant 1 : i32
      %mul3A_377 = arith.muli %scan3A_375, %mul3A_376 : i32
      %add3A_378 = arith.constant 0 : i32
      %add3A_379 = arith.addi %add3A_378, %mul3A_377 : i32
      %mul3A_380 = arith.constant 2 : i32
      %mul3A_381 = arith.muli %mul3A_380, %add3A_379 : i32
      %dma_wait3A_382 = arith.constant 0 : i32
      %dma_wait3A_383 = tpu.memref_slice %arg6[%mul3A_381, %dma_wait3A_382] : memref<40x128xi32, #tpu.memory_space<vmem>> -> memref<1x128xi32, #tpu.memory_space<vmem>>
      %dma_wait3A_384 = tpu.memref_squeeze %dma_wait3A_383 : memref<1x128xi32, #tpu.memory_space<vmem>> -> memref<128xi32, #tpu.memory_space<vmem>>
      %dma_wait3A_385 = arith.constant 0 : i32
      %dma_wait3A_386 = arith.constant 0 : i32
      %dma_wait3A_387 = tpu.memref_slice %arg2[%dma_wait3A_385, %dma_wait3A_386] : memref<40960x128xf32, #tpu.memory_space<hbm>> -> memref<40960x128xf32, #tpu.memory_space<hbm>>
      tpu.wait_indirect_dma semaphore(%arg11 : memref<!tpu.dma_semaphore, #tpu.memory_space<semaphore_mem>>) src(%dma_wait3A_387 : memref<40960x128xf32, #tpu.memory_space<hbm>>) dst(%arg8 : memref<128x128xf32, #tpu.memory_space<vmem>>)
      "tpu.region"() ({
        %run_scoped3A = tpu.sem_alloc : memref<!tpu.dma_semaphore, #tpu.memory_space<semaphore_mem>>
        %dma_start3A_411 = arith.constant 0 : i32
        %dma_start3A_412 = tpu.memref_slice %arg7[%mul3A_381, %dma_start3A_411] : memref<40x128xi32, #tpu.memory_space<vmem>> -> memref<1x128xi32, #tpu.memory_space<vmem>>
        %dma_start3A_413 = tpu.memref_squeeze %dma_start3A_412 : memref<1x128xi32, #tpu.memory_space<vmem>> -> memref<128xi32, #tpu.memory_space<vmem>>
        %dma_start3A_414 = arith.constant 0 : i32
        %dma_start3A_415 = arith.constant 0 : i32
        %dma_start3A_416 = tpu.memref_slice %arg10[%dma_start3A_414, %dma_start3A_415] : memref<10048x128xf32, #tpu.memory_space<vmem_shared>> -> memref<10048x128xf32, #tpu.memory_space<vmem_shared>>
        tpu.enqueue_indirect_dma source(%arg8 : memref<128x128xf32, #tpu.memory_space<vmem>>) target(%dma_start3A_416 : memref<10048x128xf32, #tpu.memory_space<vmem_shared>>) offsets(%dma_start3A_413 : memref<128xi32, #tpu.memory_space<vmem>>) semaphore(%run_scoped3A : memref<!tpu.dma_semaphore, #tpu.memory_space<semaphore_mem>>) {add = true}
        %dma_wait3A_417 = arith.constant 0 : i32
        %dma_wait3A_418 = tpu.memref_slice %arg7[%mul3A_381, %dma_wait3A_417] : memref<40x128xi32, #tpu.memory_space<vmem>> -> memref<1x128xi32, #tpu.memory_space<vmem>>
        %dma_wait3A_419 = tpu.memref_squeeze %dma_wait3A_418 : memref<1x128xi32, #tpu.memory_space<vmem>> -> memref<128xi32, #tpu.memory_space<vmem>>
        %dma_wait3A_420 = arith.constant 0 : i32
        %dma_wait3A_421 = arith.constant 0 : i32
        %dma_wait3A_422 = tpu.memref_slice %arg10[%dma_wait3A_420, %dma_wait3A_421] : memref<10048x128xf32, #tpu.memory_space<vmem_shared>> -> memref<10048x128xf32, #tpu.memory_space<vmem_shared>>
        tpu.wait_indirect_dma semaphore(%run_scoped3A : memref<!tpu.dma_semaphore, #tpu.memory_space<semaphore_mem>>) src(%arg8 : memref<128x128xf32, #tpu.memory_space<vmem>>) dst(%dma_wait3A_422 : memref<10048x128xf32, #tpu.memory_space<vmem_shared>>)
        tpu.yield
      }) : () -> ()
      %add3A_388 = arith.constant 2 : i32
      %add3A_389 = arith.addi %mul3A_381, %add3A_388 : i32
      %lt3A = arith.constant 40 : i32
      %lt3A_390 = arith.cmpi slt, %add3A_389, %lt3A : i32
      %convert_element_type3A_391 = arith.extui %lt3A_390 : i1 to i32
      %cond3A_392 = arith.constant 0 : i32
      %cond3A_393 = arith.cmpi ne, %convert_element_type3A_391, %cond3A_392 : i32
      scf.if %cond3A_393 {
        %add3A_411 = arith.constant 2 : i32
        %add3A_412 = arith.addi %mul3A_381, %add3A_411 : i32
        %dma_start3A_413 = arith.constant 0 : i32
        %dma_start3A_414 = tpu.memref_slice %arg6[%add3A_412, %dma_start3A_413] : memref<40x128xi32, #tpu.memory_space<vmem>> -> memref<1x128xi32, #tpu.memory_space<vmem>>
        %dma_start3A_415 = tpu.memref_squeeze %dma_start3A_414 : memref<1x128xi32, #tpu.memory_space<vmem>> -> memref<128xi32, #tpu.memory_space<vmem>>
        %dma_start3A_416 = arith.constant 0 : i32
        %dma_start3A_417 = arith.constant 0 : i32
        %dma_start3A_418 = tpu.memref_slice %arg2[%dma_start3A_416, %dma_start3A_417] : memref<40960x128xf32, #tpu.memory_space<hbm>> -> memref<40960x128xf32, #tpu.memory_space<hbm>>
        tpu.enqueue_indirect_dma source(%dma_start3A_418 : memref<40960x128xf32, #tpu.memory_space<hbm>>) target(%arg8 : memref<128x128xf32, #tpu.memory_space<vmem>>) offsets(%dma_start3A_415 : memref<128xi32, #tpu.memory_space<vmem>>) semaphore(%arg11 : memref<!tpu.dma_semaphore, #tpu.memory_space<semaphore_mem>>)
      } else {
      }
      %add3A_394 = arith.constant 1 : i32
      %add3A_395 = arith.addi %mul3A_381, %add3A_394 : i32
      %dma_wait3A_396 = arith.constant 0 : i32
      %dma_wait3A_397 = tpu.memref_slice %arg6[%add3A_395, %dma_wait3A_396] : memref<40x128xi32, #tpu.memory_space<vmem>> -> memref<1x128xi32, #tpu.memory_space<vmem>>
      %dma_wait3A_398 = tpu.memref_squeeze %dma_wait3A_397 : memref<1x128xi32, #tpu.memory_space<vmem>> -> memref<128xi32, #tpu.memory_space<vmem>>
      %dma_wait3A_399 = arith.constant 0 : i32
      %dma_wait3A_400 = arith.constant 0 : i32
      %dma_wait3A_401 = tpu.memref_slice %arg2[%dma_wait3A_399, %dma_wait3A_400] : memref<40960x128xf32, #tpu.memory_space<hbm>> -> memref<40960x128xf32, #tpu.memory_space<hbm>>
      tpu.wait_indirect_dma semaphore(%arg12 : memref<!tpu.dma_semaphore, #tpu.memory_space<semaphore_mem>>) src(%dma_wait3A_401 : memref<40960x128xf32, #tpu.memory_space<hbm>>) dst(%arg9 : memref<128x128xf32, #tpu.memory_space<vmem>>)
      %add3A_402 = arith.constant 1 : i32
      %add3A_403 = arith.addi %mul3A_381, %add3A_402 : i32
      "tpu.region"() ({
        %run_scoped3A = tpu.sem_alloc : memref<!tpu.dma_semaphore, #tpu.memory_space<semaphore_mem>>
        %dma_start3A_411 = arith.constant 0 : i32
        %dma_start3A_412 = tpu.memref_slice %arg7[%add3A_403, %dma_start3A_411] : memref<40x128xi32, #tpu.memory_space<vmem>> -> memref<1x128xi32, #tpu.memory_space<vmem>>
        %dma_start3A_413 = tpu.memref_squeeze %dma_start3A_412 : memref<1x128xi32, #tpu.memory_space<vmem>> -> memref<128xi32, #tpu.memory_space<vmem>>
        %dma_start3A_414 = arith.constant 0 : i32
        %dma_start3A_415 = arith.constant 0 : i32
        %dma_start3A_416 = tpu.memref_slice %arg10[%dma_start3A_414, %dma_start3A_415] : memref<10048x128xf32, #tpu.memory_space<vmem_shared>> -> memref<10048x128xf32, #tpu.memory_space<vmem_shared>>
        tpu.enqueue_indirect_dma source(%arg9 : memref<128x128xf32, #tpu.memory_space<vmem>>) target(%dma_start3A_416 : memref<10048x128xf32, #tpu.memory_space<vmem_shared>>) offsets(%dma_start3A_413 : memref<128xi32, #tpu.memory_space<vmem>>) semaphore(%run_scoped3A : memref<!tpu.dma_semaphore, #tpu.memory_space<semaphore_mem>>) {add = true}
        %dma_wait3A_417 = arith.constant 0 : i32
        %dma_wait3A_418 = tpu.memref_slice %arg7[%add3A_403, %dma_wait3A_417] : memref<40x128xi32, #tpu.memory_space<vmem>> -> memref<1x128xi32, #tpu.memory_space<vmem>>
        %dma_wait3A_419 = tpu.memref_squeeze %dma_wait3A_418 : memref<1x128xi32, #tpu.memory_space<vmem>> -> memref<128xi32, #tpu.memory_space<vmem>>
        %dma_wait3A_420 = arith.constant 0 : i32
        %dma_wait3A_421 = arith.constant 0 : i32
        %dma_wait3A_422 = tpu.memref_slice %arg10[%dma_wait3A_420, %dma_wait3A_421] : memref<10048x128xf32, #tpu.memory_space<vmem_shared>> -> memref<10048x128xf32, #tpu.memory_space<vmem_shared>>
        tpu.wait_indirect_dma semaphore(%run_scoped3A : memref<!tpu.dma_semaphore, #tpu.memory_space<semaphore_mem>>) src(%arg9 : memref<128x128xf32, #tpu.memory_space<vmem>>) dst(%dma_wait3A_422 : memref<10048x128xf32, #tpu.memory_space<vmem_shared>>)
        tpu.yield
      }) : () -> ()
      %add3A_404 = arith.constant 3 : i32
      %add3A_405 = arith.addi %mul3A_381, %add3A_404 : i32
      %lt3A_406 = arith.constant 40 : i32
      %lt3A_407 = arith.cmpi slt, %add3A_405, %lt3A_406 : i32
      %convert_element_type3A_408 = arith.extui %lt3A_407 : i1 to i32
      %cond3A_409 = arith.constant 0 : i32
      %cond3A_410 = arith.cmpi ne, %convert_element_type3A_408, %cond3A_409 : i32
      scf.if %cond3A_410 {
        %add3A_411 = arith.constant 3 : i32
        %add3A_412 = arith.addi %mul3A_381, %add3A_411 : i32
        %dma_start3A_413 = arith.constant 0 : i32
        %dma_start3A_414 = tpu.memref_slice %arg6[%add3A_412, %dma_start3A_413] : memref<40x128xi32, #tpu.memory_space<vmem>> -> memref<1x128xi32, #tpu.memory_space<vmem>>
        %dma_start3A_415 = tpu.memref_squeeze %dma_start3A_414 : memref<1x128xi32, #tpu.memory_space<vmem>> -> memref<128xi32, #tpu.memory_space<vmem>>
        %dma_start3A_416 = arith.constant 0 : i32
        %dma_start3A_417 = arith.constant 0 : i32
        %dma_start3A_418 = tpu.memref_slice %arg2[%dma_start3A_416, %dma_start3A_417] : memref<40960x128xf32, #tpu.memory_space<hbm>> -> memref<40960x128xf32, #tpu.memory_space<hbm>>
        tpu.enqueue_indirect_dma source(%dma_start3A_418 : memref<40960x128xf32, #tpu.memory_space<hbm>>) target(%arg9 : memref<128x128xf32, #tpu.memory_space<vmem>>) offsets(%dma_start3A_415 : memref<128xi32, #tpu.memory_space<vmem>>) semaphore(%arg12 : memref<!tpu.dma_semaphore, #tpu.memory_space<semaphore_mem>>)
      } else {
      }
    }
    %scan3A_335 = arith.constant 20 : i32
    %mul3A_336 = arith.constant 80 : i32
    %mul3A_337 = arith.muli %arg1, %mul3A_336 : i32
    %add3A_338 = arith.constant 40 : i32
    %add3A_339 = arith.addi %mul3A_337, %add3A_338 : i32
    %mul3A_340 = arith.constant 1280 : i32
    %mul3A_341 = arith.muli %add3A_308, %mul3A_340 : i32
    %add3A_342 = arith.addi %mul3A_341, %add3A_339 : i32
    "tpu.region"() ({
      %run_scoped3A = tpu.sem_alloc : memref<!tpu.dma_semaphore, #tpu.memory_space<semaphore_mem>>
      %dma_start3A_375 = arith.constant 0 : i32
      %dma_start3A_376 = tpu.memref_slice %arg3[%add3A_342, %dma_start3A_375] : memref<5120x128xi32, #tpu.memory_space<hbm>> -> memref<40x128xi32, #tpu.memory_space<hbm>>
      %dma_start3A_377 = arith.constant 0 : i32
      %dma_start3A_378 = tpu.memref_slice %arg3[%add3A_342, %dma_start3A_377] : memref<5120x128xi32, #tpu.memory_space<hbm>> -> memref<40x128xi32, #tpu.memory_space<hbm>>
      tpu.enqueue_dma source(%dma_start3A_378 : memref<40x128xi32, #tpu.memory_space<hbm>>) target(%arg6 : memref<40x128xi32, #tpu.memory_space<vmem>>) target_semaphore(%run_scoped3A : memref<!tpu.dma_semaphore, #tpu.memory_space<semaphore_mem>>)
      %dma_wait3A_379 = arith.constant 0 : i32
      %dma_wait3A_380 = tpu.memref_slice %arg3[%add3A_342, %dma_wait3A_379] : memref<5120x128xi32, #tpu.memory_space<hbm>> -> memref<40x128xi32, #tpu.memory_space<hbm>>
      %dma_wait3A_381 = arith.constant 0 : i32
      %dma_wait3A_382 = tpu.memref_slice %arg3[%add3A_342, %dma_wait3A_381] : memref<5120x128xi32, #tpu.memory_space<hbm>> -> memref<40x128xi32, #tpu.memory_space<hbm>>
      tpu.wait_dma2 semaphore(%run_scoped3A : memref<!tpu.dma_semaphore, #tpu.memory_space<semaphore_mem>>) src(%dma_wait3A_382 : memref<40x128xi32, #tpu.memory_space<hbm>>) dst(%arg6 : memref<40x128xi32, #tpu.memory_space<vmem>>)
      tpu.yield
    }) : () -> ()
    "tpu.region"() ({
      %run_scoped3A = tpu.sem_alloc : memref<!tpu.dma_semaphore, #tpu.memory_space<semaphore_mem>>
      %dma_start3A_375 = arith.constant 0 : i32
      %dma_start3A_376 = tpu.memref_slice %arg4[%add3A_339, %dma_start3A_375] : memref<1280x128xi32, #tpu.memory_space<hbm>> -> memref<40x128xi32, #tpu.memory_space<hbm>>
      %dma_start3A_377 = arith.constant 0 : i32
      %dma_start3A_378 = tpu.memref_slice %arg4[%add3A_339, %dma_start3A_377] : memref<1280x128xi32, #tpu.memory_space<hbm>> -> memref<40x128xi32, #tpu.memory_space<hbm>>
      tpu.enqueue_dma source(%dma_start3A_378 : memref<40x128xi32, #tpu.memory_space<hbm>>) target(%arg7 : memref<40x128xi32, #tpu.memory_space<vmem>>) target_semaphore(%run_scoped3A : memref<!tpu.dma_semaphore, #tpu.memory_space<semaphore_mem>>)
      %dma_wait3A_379 = arith.constant 0 : i32
      %dma_wait3A_380 = tpu.memref_slice %arg4[%add3A_339, %dma_wait3A_379] : memref<1280x128xi32, #tpu.memory_space<hbm>> -> memref<40x128xi32, #tpu.memory_space<hbm>>
      %dma_wait3A_381 = arith.constant 0 : i32
      %dma_wait3A_382 = tpu.memref_slice %arg4[%add3A_339, %dma_wait3A_381] : memref<1280x128xi32, #tpu.memory_space<hbm>> -> memref<40x128xi32, #tpu.memory_space<hbm>>
      tpu.wait_dma2 semaphore(%run_scoped3A : memref<!tpu.dma_semaphore, #tpu.memory_space<semaphore_mem>>) src(%dma_wait3A_382 : memref<40x128xi32, #tpu.memory_space<hbm>>) dst(%arg7 : memref<40x128xi32, #tpu.memory_space<vmem>>)
      tpu.yield
    }) : () -> ()
    %dma_start3A_343 = arith.constant 0 : i32
    %dma_start3A_344 = arith.constant 0 : i32
    %dma_start3A_345 = tpu.memref_slice %arg6[%dma_start3A_343, %dma_start3A_344] : memref<40x128xi32, #tpu.memory_space<vmem>> -> memref<1x128xi32, #tpu.memory_space<vmem>>
    %dma_start3A_346 = tpu.memref_squeeze %dma_start3A_345 : memref<1x128xi32, #tpu.memory_space<vmem>> -> memref<128xi32, #tpu.memory_space<vmem>>
    %dma_start3A_347 = arith.constant 0 : i32
    %dma_start3A_348 = arith.constant 0 : i32
    %dma_start3A_349 = tpu.memref_slice %arg2[%dma_start3A_347, %dma_start3A_348] : memref<40960x128xf32, #tpu.memory_space<hbm>> -> memref<40960x128xf32, #tpu.memory_space<hbm>>
    tpu.enqueue_indirect_dma source(%dma_start3A_349 : memref<40960x128xf32, #tpu.memory_space<hbm>>) target(%arg8 : memref<128x128xf32, #tpu.memory_space<vmem>>) offsets(%dma_start3A_346 : memref<128xi32, #tpu.memory_space<vmem>>) semaphore(%arg11 : memref<!tpu.dma_semaphore, #tpu.memory_space<semaphore_mem>>)
    %dma_start3A_350 = arith.constant 1 : i32
    %dma_start3A_351 = arith.constant 0 : i32
    %dma_start3A_352 = tpu.memref_slice %arg6[%dma_start3A_350, %dma_start3A_351] : memref<40x128xi32, #tpu.memory_space<vmem>> -> memref<1x128xi32, #tpu.memory_space<vmem>>
    %dma_start3A_353 = tpu.memref_squeeze %dma_start3A_352 : memref<1x128xi32, #tpu.memory_space<vmem>> -> memref<128xi32, #tpu.memory_space<vmem>>
    %dma_start3A_354 = arith.constant 0 : i32
    %dma_start3A_355 = arith.constant 0 : i32
    %dma_start3A_356 = tpu.memref_slice %arg2[%dma_start3A_354, %dma_start3A_355] : memref<40960x128xf32, #tpu.memory_space<hbm>> -> memref<40960x128xf32, #tpu.memory_space<hbm>>
    tpu.enqueue_indirect_dma source(%dma_start3A_356 : memref<40960x128xf32, #tpu.memory_space<hbm>>) target(%arg9 : memref<128x128xf32, #tpu.memory_space<vmem>>) offsets(%dma_start3A_353 : memref<128xi32, #tpu.memory_space<vmem>>) semaphore(%arg12 : memref<!tpu.dma_semaphore, #tpu.memory_space<semaphore_mem>>)
    %scan3A_357 = arith.constant 0 : i32
    %scan3A_358 = arith.constant 20 : i32
    %scan3A_359 = arith.addi %scan3A_357, %scan3A_358 : i32
    %scan3A_360 = arith.constant 1 : i32
    scf.for %scan3A_375 = %scan3A_357 to %scan3A_359 step %scan3A_360  : i32 {
      %mul3A_376 = arith.constant 1 : i32
      %mul3A_377 = arith.muli %scan3A_375, %mul3A_376 : i32
      %add3A_378 = arith.constant 0 : i32
      %add3A_379 = arith.addi %add3A_378, %mul3A_377 : i32
      %mul3A_380 = arith.constant 2 : i32
      %mul3A_381 = arith.muli %mul3A_380, %add3A_379 : i32
      %dma_wait3A_382 = arith.constant 0 : i32
      %dma_wait3A_383 = tpu.memref_slice %arg6[%mul3A_381, %dma_wait3A_382] : memref<40x128xi32, #tpu.memory_space<vmem>> -> memref<1x128xi32, #tpu.memory_space<vmem>>
      %dma_wait3A_384 = tpu.memref_squeeze %dma_wait3A_383 : memref<1x128xi32, #tpu.memory_space<vmem>> -> memref<128xi32, #tpu.memory_space<vmem>>
      %dma_wait3A_385 = arith.constant 0 : i32
      %dma_wait3A_386 = arith.constant 0 : i32
      %dma_wait3A_387 = tpu.memref_slice %arg2[%dma_wait3A_385, %dma_wait3A_386] : memref<40960x128xf32, #tpu.memory_space<hbm>> -> memref<40960x128xf32, #tpu.memory_space<hbm>>
      tpu.wait_indirect_dma semaphore(%arg11 : memref<!tpu.dma_semaphore, #tpu.memory_space<semaphore_mem>>) src(%dma_wait3A_387 : memref<40960x128xf32, #tpu.memory_space<hbm>>) dst(%arg8 : memref<128x128xf32, #tpu.memory_space<vmem>>)
      "tpu.region"() ({
        %run_scoped3A = tpu.sem_alloc : memref<!tpu.dma_semaphore, #tpu.memory_space<semaphore_mem>>
        %dma_start3A_411 = arith.constant 0 : i32
        %dma_start3A_412 = tpu.memref_slice %arg7[%mul3A_381, %dma_start3A_411] : memref<40x128xi32, #tpu.memory_space<vmem>> -> memref<1x128xi32, #tpu.memory_space<vmem>>
        %dma_start3A_413 = tpu.memref_squeeze %dma_start3A_412 : memref<1x128xi32, #tpu.memory_space<vmem>> -> memref<128xi32, #tpu.memory_space<vmem>>
        %dma_start3A_414 = arith.constant 0 : i32
        %dma_start3A_415 = arith.constant 0 : i32
        %dma_start3A_416 = tpu.memref_slice %arg10[%dma_start3A_414, %dma_start3A_415] : memref<10048x128xf32, #tpu.memory_space<vmem_shared>> -> memref<10048x128xf32, #tpu.memory_space<vmem_shared>>
        tpu.enqueue_indirect_dma source(%arg8 : memref<128x128xf32, #tpu.memory_space<vmem>>) target(%dma_start3A_416 : memref<10048x128xf32, #tpu.memory_space<vmem_shared>>) offsets(%dma_start3A_413 : memref<128xi32, #tpu.memory_space<vmem>>) semaphore(%run_scoped3A : memref<!tpu.dma_semaphore, #tpu.memory_space<semaphore_mem>>) {add = true}
        %dma_wait3A_417 = arith.constant 0 : i32
        %dma_wait3A_418 = tpu.memref_slice %arg7[%mul3A_381, %dma_wait3A_417] : memref<40x128xi32, #tpu.memory_space<vmem>> -> memref<1x128xi32, #tpu.memory_space<vmem>>
        %dma_wait3A_419 = tpu.memref_squeeze %dma_wait3A_418 : memref<1x128xi32, #tpu.memory_space<vmem>> -> memref<128xi32, #tpu.memory_space<vmem>>
        %dma_wait3A_420 = arith.constant 0 : i32
        %dma_wait3A_421 = arith.constant 0 : i32
        %dma_wait3A_422 = tpu.memref_slice %arg10[%dma_wait3A_420, %dma_wait3A_421] : memref<10048x128xf32, #tpu.memory_space<vmem_shared>> -> memref<10048x128xf32, #tpu.memory_space<vmem_shared>>
        tpu.wait_indirect_dma semaphore(%run_scoped3A : memref<!tpu.dma_semaphore, #tpu.memory_space<semaphore_mem>>) src(%arg8 : memref<128x128xf32, #tpu.memory_space<vmem>>) dst(%dma_wait3A_422 : memref<10048x128xf32, #tpu.memory_space<vmem_shared>>)
        tpu.yield
      }) : () -> ()
      %add3A_388 = arith.constant 2 : i32
      %add3A_389 = arith.addi %mul3A_381, %add3A_388 : i32
      %lt3A = arith.constant 40 : i32
      %lt3A_390 = arith.cmpi slt, %add3A_389, %lt3A : i32
      %convert_element_type3A_391 = arith.extui %lt3A_390 : i1 to i32
      %cond3A_392 = arith.constant 0 : i32
      %cond3A_393 = arith.cmpi ne, %convert_element_type3A_391, %cond3A_392 : i32
      scf.if %cond3A_393 {
        %add3A_411 = arith.constant 2 : i32
        %add3A_412 = arith.addi %mul3A_381, %add3A_411 : i32
        %dma_start3A_413 = arith.constant 0 : i32
        %dma_start3A_414 = tpu.memref_slice %arg6[%add3A_412, %dma_start3A_413] : memref<40x128xi32, #tpu.memory_space<vmem>> -> memref<1x128xi32, #tpu.memory_space<vmem>>
        %dma_start3A_415 = tpu.memref_squeeze %dma_start3A_414 : memref<1x128xi32, #tpu.memory_space<vmem>> -> memref<128xi32, #tpu.memory_space<vmem>>
        %dma_start3A_416 = arith.constant 0 : i32
        %dma_start3A_417 = arith.constant 0 : i32
        %dma_start3A_418 = tpu.memref_slice %arg2[%dma_start3A_416, %dma_start3A_417] : memref<40960x128xf32, #tpu.memory_space<hbm>> -> memref<40960x128xf32, #tpu.memory_space<hbm>>
        tpu.enqueue_indirect_dma source(%dma_start3A_418 : memref<40960x128xf32, #tpu.memory_space<hbm>>) target(%arg8 : memref<128x128xf32, #tpu.memory_space<vmem>>) offsets(%dma_start3A_415 : memref<128xi32, #tpu.memory_space<vmem>>) semaphore(%arg11 : memref<!tpu.dma_semaphore, #tpu.memory_space<semaphore_mem>>)
      } else {
      }
      %add3A_394 = arith.constant 1 : i32
      %add3A_395 = arith.addi %mul3A_381, %add3A_394 : i32
      %dma_wait3A_396 = arith.constant 0 : i32
      %dma_wait3A_397 = tpu.memref_slice %arg6[%add3A_395, %dma_wait3A_396] : memref<40x128xi32, #tpu.memory_space<vmem>> -> memref<1x128xi32, #tpu.memory_space<vmem>>
      %dma_wait3A_398 = tpu.memref_squeeze %dma_wait3A_397 : memref<1x128xi32, #tpu.memory_space<vmem>> -> memref<128xi32, #tpu.memory_space<vmem>>
      %dma_wait3A_399 = arith.constant 0 : i32
      %dma_wait3A_400 = arith.constant 0 : i32
      %dma_wait3A_401 = tpu.memref_slice %arg2[%dma_wait3A_399, %dma_wait3A_400] : memref<40960x128xf32, #tpu.memory_space<hbm>> -> memref<40960x128xf32, #tpu.memory_space<hbm>>
      tpu.wait_indirect_dma semaphore(%arg12 : memref<!tpu.dma_semaphore, #tpu.memory_space<semaphore_mem>>) src(%dma_wait3A_401 : memref<40960x128xf32, #tpu.memory_space<hbm>>) dst(%arg9 : memref<128x128xf32, #tpu.memory_space<vmem>>)
      %add3A_402 = arith.constant 1 : i32
      %add3A_403 = arith.addi %mul3A_381, %add3A_402 : i32
      "tpu.region"() ({
        %run_scoped3A = tpu.sem_alloc : memref<!tpu.dma_semaphore, #tpu.memory_space<semaphore_mem>>
        %dma_start3A_411 = arith.constant 0 : i32
        %dma_start3A_412 = tpu.memref_slice %arg7[%add3A_403, %dma_start3A_411] : memref<40x128xi32, #tpu.memory_space<vmem>> -> memref<1x128xi32, #tpu.memory_space<vmem>>
        %dma_start3A_413 = tpu.memref_squeeze %dma_start3A_412 : memref<1x128xi32, #tpu.memory_space<vmem>> -> memref<128xi32, #tpu.memory_space<vmem>>
        %dma_start3A_414 = arith.constant 0 : i32
        %dma_start3A_415 = arith.constant 0 : i32
        %dma_start3A_416 = tpu.memref_slice %arg10[%dma_start3A_414, %dma_start3A_415] : memref<10048x128xf32, #tpu.memory_space<vmem_shared>> -> memref<10048x128xf32, #tpu.memory_space<vmem_shared>>
        tpu.enqueue_indirect_dma source(%arg9 : memref<128x128xf32, #tpu.memory_space<vmem>>) target(%dma_start3A_416 : memref<10048x128xf32, #tpu.memory_space<vmem_shared>>) offsets(%dma_start3A_413 : memref<128xi32, #tpu.memory_space<vmem>>) semaphore(%run_scoped3A : memref<!tpu.dma_semaphore, #tpu.memory_space<semaphore_mem>>) {add = true}
        %dma_wait3A_417 = arith.constant 0 : i32
        %dma_wait3A_418 = tpu.memref_slice %arg7[%add3A_403, %dma_wait3A_417] : memref<40x128xi32, #tpu.memory_space<vmem>> -> memref<1x128xi32, #tpu.memory_space<vmem>>
        %dma_wait3A_419 = tpu.memref_squeeze %dma_wait3A_418 : memref<1x128xi32, #tpu.memory_space<vmem>> -> memref<128xi32, #tpu.memory_space<vmem>>
        %dma_wait3A_420 = arith.constant 0 : i32
        %dma_wait3A_421 = arith.constant 0 : i32
        %dma_wait3A_422 = tpu.memref_slice %arg10[%dma_wait3A_420, %dma_wait3A_421] : memref<10048x128xf32, #tpu.memory_space<vmem_shared>> -> memref<10048x128xf32, #tpu.memory_space<vmem_shared>>
        tpu.wait_indirect_dma semaphore(%run_scoped3A : memref<!tpu.dma_semaphore, #tpu.memory_space<semaphore_mem>>) src(%arg9 : memref<128x128xf32, #tpu.memory_space<vmem>>) dst(%dma_wait3A_422 : memref<10048x128xf32, #tpu.memory_space<vmem_shared>>)
        tpu.yield
      }) : () -> ()
      %add3A_404 = arith.constant 3 : i32
      %add3A_405 = arith.addi %mul3A_381, %add3A_404 : i32
      %lt3A_406 = arith.constant 40 : i32
      %lt3A_407 = arith.cmpi slt, %add3A_405, %lt3A_406 : i32
      %convert_element_type3A_408 = arith.extui %lt3A_407 : i1 to i32
      %cond3A_409 = arith.constant 0 : i32
      %cond3A_410 = arith.cmpi ne, %convert_element_type3A_408, %cond3A_409 : i32
      scf.if %cond3A_410 {
        %add3A_411 = arith.constant 3 : i32
        %add3A_412 = arith.addi %mul3A_381, %add3A_411 : i32
        %dma_start3A_413 = arith.constant 0 : i32
        %dma_start3A_414 = tpu.memref_slice %arg6[%add3A_412, %dma_start3A_413] : memref<40x128xi32, #tpu.memory_space<vmem>> -> memref<1x128xi32, #tpu.memory_space<vmem>>
        %dma_start3A_415 = tpu.memref_squeeze %dma_start3A_414 : memref<1x128xi32, #tpu.memory_space<vmem>> -> memref<128xi32, #tpu.memory_space<vmem>>
        %dma_start3A_416 = arith.constant 0 : i32
        %dma_start3A_417 = arith.constant 0 : i32
        %dma_start3A_418 = tpu.memref_slice %arg2[%dma_start3A_416, %dma_start3A_417] : memref<40960x128xf32, #tpu.memory_space<hbm>> -> memref<40960x128xf32, #tpu.memory_space<hbm>>
        tpu.enqueue_indirect_dma source(%dma_start3A_418 : memref<40960x128xf32, #tpu.memory_space<hbm>>) target(%arg9 : memref<128x128xf32, #tpu.memory_space<vmem>>) offsets(%dma_start3A_415 : memref<128xi32, #tpu.memory_space<vmem>>) semaphore(%arg12 : memref<!tpu.dma_semaphore, #tpu.memory_space<semaphore_mem>>)
      } else {
      }
    }
    %scan3A_361 = arith.constant 20 : i32
    %barrier3A_362 = arith.constant 0 : index
    tpu.barrier barrier_id(%barrier3A_362)
    %mul3A_363 = arith.constant 624 : i32
    %mul3A_364 = arith.muli %arg1, %mul3A_363 : i32
    %mul3A_365 = arith.constant 10000 : i32
    %mul3A_366 = arith.muli %add3A_308, %mul3A_365 : i32
    %mul3A_367 = arith.constant 624 : i32
    %mul3A_368 = arith.muli %arg1, %mul3A_367 : i32
    %add3A_369 = arith.addi %mul3A_366, %mul3A_368 : i32
    "tpu.region"() ({
      %run_scoped3A = tpu.sem_alloc : memref<!tpu.dma_semaphore, #tpu.memory_space<semaphore_mem>>
      %dma_start3A_375 = arith.constant 0 : i32
      %dma_start3A_376 = tpu.memref_slice %arg5[%add3A_369, %dma_start3A_375] : memref<40000x128xf32, #tpu.memory_space<hbm>> -> memref<624x128xf32, #tpu.memory_space<hbm>>
      %dma_start3A_377 = arith.constant 0 : i32
      %dma_start3A_378 = tpu.memref_slice %arg10[%mul3A_364, %dma_start3A_377] : memref<10048x128xf32, #tpu.memory_space<vmem_shared>> -> memref<624x128xf32, #tpu.memory_space<vmem_shared>>
      tpu.enqueue_dma source(%dma_start3A_378 : memref<624x128xf32, #tpu.memory_space<vmem_shared>>) target(%dma_start3A_376 : memref<624x128xf32, #tpu.memory_space<hbm>>) target_semaphore(%run_scoped3A : memref<!tpu.dma_semaphore, #tpu.memory_space<semaphore_mem>>)
      %dma_wait3A_379 = arith.constant 0 : i32
      %dma_wait3A_380 = tpu.memref_slice %arg5[%add3A_369, %dma_wait3A_379] : memref<40000x128xf32, #tpu.memory_space<hbm>> -> memref<624x128xf32, #tpu.memory_space<hbm>>
      %dma_wait3A_381 = arith.constant 0 : i32
      %dma_wait3A_382 = tpu.memref_slice %arg10[%mul3A_364, %dma_wait3A_381] : memref<10048x128xf32, #tpu.memory_space<vmem_shared>> -> memref<624x128xf32, #tpu.memory_space<vmem_shared>>
      tpu.wait_dma2 semaphore(%run_scoped3A : memref<!tpu.dma_semaphore, #tpu.memory_space<semaphore_mem>>) src(%dma_wait3A_382 : memref<624x128xf32, #tpu.memory_space<vmem_shared>>) dst(%dma_wait3A_380 : memref<624x128xf32, #tpu.memory_space<hbm>>)
      tpu.yield
    }) : () -> ()
    %eq3A_370 = arith.constant 15 : i32
    %eq3A_371 = arith.cmpi eq, %arg1, %eq3A_370 : i32
    %convert_element_type3A_372 = arith.extui %eq3A_371 : i1 to i32
    %cond3A_373 = arith.constant 0 : i32
    %cond3A_374 = arith.cmpi ne, %convert_element_type3A_372, %cond3A_373 : i32
    scf.if %cond3A_374 {
      %mul3A_375 = arith.constant 10000 : i32
      %mul3A_376 = arith.muli %add3A_308, %mul3A_375 : i32
      %add3A_377 = arith.constant 9984 : i32
      %add3A_378 = arith.addi %mul3A_376, %add3A_377 : i32
      "tpu.region"() ({
        %run_scoped3A = tpu.sem_alloc : memref<!tpu.dma_semaphore, #tpu.memory_space<semaphore_mem>>
        %dma_start3A_379 = arith.constant 0 : i32
        %dma_start3A_380 = tpu.memref_slice %arg5[%add3A_378, %dma_start3A_379] : memref<40000x128xf32, #tpu.memory_space<hbm>> -> memref<16x128xf32, #tpu.memory_space<hbm>>
        %dma_start3A_381 = arith.constant 9984 : i32
        %dma_start3A_382 = arith.constant 0 : i32
        %dma_start3A_383 = tpu.memref_slice %arg10[%dma_start3A_381, %dma_start3A_382] : memref<10048x128xf32, #tpu.memory_space<vmem_shared>> -> memref<16x128xf32, #tpu.memory_space<vmem_shared>>
        tpu.enqueue_dma source(%dma_start3A_383 : memref<16x128xf32, #tpu.memory_space<vmem_shared>>) target(%dma_start3A_380 : memref<16x128xf32, #tpu.memory_space<hbm>>) target_semaphore(%run_scoped3A : memref<!tpu.dma_semaphore, #tpu.memory_space<semaphore_mem>>)
        %dma_wait3A_384 = arith.constant 0 : i32
        %dma_wait3A_385 = tpu.memref_slice %arg5[%add3A_378, %dma_wait3A_384] : memref<40000x128xf32, #tpu.memory_space<hbm>> -> memref<16x128xf32, #tpu.memory_space<hbm>>
        %dma_wait3A_386 = arith.constant 9984 : i32
        %dma_wait3A_387 = arith.constant 0 : i32
        %dma_wait3A_388 = tpu.memref_slice %arg10[%dma_wait3A_386, %dma_wait3A_387] : memref<10048x128xf32, #tpu.memory_space<vmem_shared>> -> memref<16x128xf32, #tpu.memory_space<vmem_shared>>
        tpu.wait_dma2 semaphore(%run_scoped3A : memref<!tpu.dma_semaphore, #tpu.memory_space<semaphore_mem>>) src(%dma_wait3A_388 : memref<16x128xf32, #tpu.memory_space<vmem_shared>>) dst(%dma_wait3A_385 : memref<16x128xf32, #tpu.memory_space<hbm>>)
        tpu.yield
      }) : () -> ()
    } else {
    }
    return
  }
}

module attributes {stable_mosaic.version = 14 : i64} {
  func.func @_k1_body(%arg0: i32, %arg1: memref<1x1x10240xi32, #tpu.memory_space<vmem>>, %arg2: memref<2048x256xf32, #tpu.memory_space<vmem>>, %arg3: memref<256x256xf32, #tpu.memory_space<vmem>>, %arg4: memref<256x256xf32, #tpu.memory_space<vmem>>, %arg5: memref<4x2048x128xf32, #tpu.memory_space<vmem>>, %arg6: memref<1x1x2048xf32, #tpu.memory_space<vmem>>, %arg7: memref<80x128xf32, #tpu.memory_space<vmem>>) attributes {dimension_semantics = [#tpu.dimension_semantics<arbitrary>], iteration_bounds = array<i64: 21>, scalar_prefetch = 0 : i64, scratch_operands = 1 : i64, tpu.core_type = #tpu.core_type<tc>, window_params = [{transform_indices = @transform_0, window_bounds = array<i64: 1, 1, 10240>}, {transform_indices = @transform_1, window_bounds = array<i64: 2048, 256>}, {pipeline_mode = #tpu.pipeline_mode<synchronous>, transform_indices = @transform_2, window_bounds = array<i64: 256, 256>}, {pipeline_mode = #tpu.pipeline_mode<synchronous>, transform_indices = @transform_3, window_bounds = array<i64: 256, 256>}, {transform_indices = @transform_4, window_bounds = array<i64: 4, 2048, 128>}, {transform_indices = @transform_5, window_bounds = array<i64: 1, 1, 2048>}]} {
    %lt3A = arith.constant 16 : i32
    %lt3A_0 = arith.cmpi slt, %arg0, %lt3A : i32
    %convert_element_type3A = arith.extui %lt3A_0 : i1 to i32
    %cond3A = arith.constant 0 : i32
    %cond3A_1 = arith.cmpi ne, %convert_element_type3A, %cond3A : i32
    scf.if %cond3A_1 {
      %get3A = arith.constant 0 : index
      %get3A_6 = arith.constant 0 : index
      %get3A_7 = arith.constant 0 : index
      %get3A_8 = vector.load %arg1[%get3A, %get3A_6, %get3A_7] : memref<1x1x10240xi32, #tpu.memory_space<vmem>>, vector<1x1x10240xi32>
      %squeeze3A = vector.shape_cast %get3A_8 : vector<1x1x10240xi32> to vector<1x10240xi32>
      %jit3A = arith.constant 128 : i32
      %div3A = vector.broadcast %jit3A : i32 to vector<1x10240xi32>
      %div3A_9 = arith.divsi %squeeze3A, %div3A : vector<1x10240xi32>
      %sign3A = arith.constant 0 : i32
      %sign3A_10 = vector.broadcast %sign3A : i32 to vector<1x10240xi32>
      %sign3A_11 = arith.cmpi sgt, %squeeze3A, %sign3A_10 : vector<1x10240xi32>
      %sign3A_12 = arith.extui %sign3A_11 : vector<1x10240xi1> to vector<1x10240xi32>
      %sign3A_13 = arith.constant 0 : i32
      %sign3A_14 = vector.broadcast %sign3A_13 : i32 to vector<1x10240xi32>
      %sign3A_15 = arith.cmpi slt, %squeeze3A, %sign3A_14 : vector<1x10240xi32>
      %sign3A_16 = arith.extui %sign3A_15 : vector<1x10240xi1> to vector<1x10240xi32>
      %sign3A_17 = arith.subi %sign3A_12, %sign3A_16 : vector<1x10240xi32>
      %sign3A_18 = arith.constant 0 : i32
      %sign3A_19 = arith.cmpi sgt, %jit3A, %sign3A_18 : i32
      %sign3A_20 = arith.extui %sign3A_19 : i1 to i32
      %sign3A_21 = arith.constant 0 : i32
      %sign3A_22 = arith.cmpi slt, %jit3A, %sign3A_21 : i32
      %sign3A_23 = arith.extui %sign3A_22 : i1 to i32
      %sign3A_24 = arith.subi %sign3A_20, %sign3A_23 : i32
      %ne3A = vector.broadcast %sign3A_24 : i32 to vector<1x10240xi32>
      %ne3A_25 = arith.cmpi ne, %sign3A_17, %ne3A : vector<1x10240xi32>
      %rem3A = vector.broadcast %jit3A : i32 to vector<1x10240xi32>
      %rem3A_26 = arith.remsi %squeeze3A, %rem3A : vector<1x10240xi32>
      %ne3A_27 = arith.constant 0 : i32
      %ne3A_28 = vector.broadcast %ne3A_27 : i32 to vector<1x10240xi32>
      %ne3A_29 = arith.cmpi ne, %rem3A_26, %ne3A_28 : vector<1x10240xi32>
      %and3A = arith.andi %ne3A_25, %ne3A_29 : vector<1x10240xi1>
      %sub3A = arith.constant 1 : i32
      %sub3A_30 = vector.broadcast %sub3A : i32 to vector<1x10240xi32>
      %sub3A_31 = arith.subi %div3A_9, %sub3A_30 : vector<1x10240xi32>
      %select_n3A = arith.select %and3A, %sub3A_31, %div3A_9 : vector<1x10240xi1>, vector<1x10240xi32>
      %jit3A_32 = arith.constant 128 : i32
      %eq3A = arith.constant 0 : i32
      %eq3A_33 = arith.cmpi eq, %jit3A_32, %eq3A : i32
      %jit3A_34 = arith.constant 1 : i32
      %select_n3A_35 = arith.select %eq3A_33, %jit3A_34, %jit3A_32 : i32
      %rem3A_36 = vector.broadcast %select_n3A_35 : i32 to vector<1x10240xi32>
      %rem3A_37 = arith.remsi %squeeze3A, %rem3A_36 : vector<1x10240xi32>
      %ne3A_38 = arith.constant 0 : i32
      %ne3A_39 = vector.broadcast %ne3A_38 : i32 to vector<1x10240xi32>
      %ne3A_40 = arith.cmpi ne, %rem3A_37, %ne3A_39 : vector<1x10240xi32>
      %lt3A_41 = arith.constant 0 : i32
      %lt3A_42 = vector.broadcast %lt3A_41 : i32 to vector<1x10240xi32>
      %lt3A_43 = arith.cmpi slt, %rem3A_37, %lt3A_42 : vector<1x10240xi32>
      %lt3A_44 = arith.constant 0 : i32
      %lt3A_45 = arith.cmpi slt, %select_n3A_35, %lt3A_44 : i32
      %ne3A_46 = vector.broadcast %lt3A_45 : i1 to vector<1x10240xi1>
      %ne3A_47 = vector.broadcast %ne3A_46 : vector<1x10240xi1> to vector<1x10240xi1>
      %ne3A_48 = arith.xori %lt3A_43, %ne3A_47 : vector<1x10240xi1>
      %and3A_49 = arith.andi %ne3A_48, %ne3A_40 : vector<1x10240xi1>
      %add3A = vector.broadcast %select_n3A_35 : i32 to vector<1x10240xi32>
      %add3A_50 = arith.addi %rem3A_37, %add3A : vector<1x10240xi32>
      %select_n3A_51 = arith.select %and3A_49, %add3A_50, %rem3A_37 : vector<1x10240xi1>, vector<1x10240xi32>
      %broadcast_in_dim3A = vector.shape_cast %select_n3A : vector<1x10240xi32> to vector<1x10240xi32>
      %broadcast_in_dim3A_52 = vector.broadcast %broadcast_in_dim3A : vector<1x10240xi32> to vector<80x10240xi32>
      %iota3A = tpu.iota {dimensions = array<i32: 0>} : vector<80x10240xi32>
      %eq3A_53 = arith.cmpi eq, %broadcast_in_dim3A_52, %iota3A : vector<80x10240xi32>
      %convert_element_type3A_54 = arith.extui %eq3A_53 : vector<80x10240xi1> to vector<80x10240xi32>
      %convert_element_type3A_55 = arith.sitofp %convert_element_type3A_54 : vector<80x10240xi32> to vector<80x10240xf32>
      %convert_element_type3A_56 = arith.truncf %convert_element_type3A_55 : vector<80x10240xf32> to vector<80x10240xbf16>
      %broadcast_in_dim3A_57 = vector.shape_cast %select_n3A_51 : vector<1x10240xi32> to vector<1x10240xi32>
      %broadcast_in_dim3A_58 = vector.broadcast %broadcast_in_dim3A_57 : vector<1x10240xi32> to vector<128x10240xi32>
      %iota3A_59 = tpu.iota {dimensions = array<i32: 0>} : vector<128x10240xi32>
      %eq3A_60 = arith.cmpi eq, %broadcast_in_dim3A_58, %iota3A_59 : vector<128x10240xi32>
      %convert_element_type3A_61 = arith.extui %eq3A_60 : vector<128x10240xi1> to vector<128x10240xi32>
      %convert_element_type3A_62 = arith.sitofp %convert_element_type3A_61 : vector<128x10240xi32> to vector<128x10240xf32>
      %convert_element_type3A_63 = arith.truncf %convert_element_type3A_62 : vector<128x10240xf32> to vector<128x10240xbf16>
      %dot_general3A = arith.constant dense<0.000000e+00> : vector<80x128xf32>
      %dot_general3A_64 = tpu.matmul %convert_element_type3A_56, %convert_element_type3A_63, %dot_general3A {dimension_numbers = #tpu.dot_dimension_numbers<[1], [1], [0], [0], [0, 0, 1, 0], [], []>, transpose_lhs_hint = false} : vector<80x10240xbf16>, vector<128x10240xbf16>, vector<80x128xf32> -> vector<80x128xf32>
      %eq3A_65 = arith.constant 0 : i32
      %eq3A_66 = arith.cmpi eq, %arg0, %eq3A_65 : i32
      %get3A_67 = arith.constant 0 : index
      %get3A_68 = arith.constant 0 : index
      %get3A_69 = vector.load %arg7[%get3A_67, %get3A_68] : memref<80x128xf32, #tpu.memory_space<vmem>>, vector<80x128xf32>
      %add3A_70 = arith.addf %get3A_69, %dot_general3A_64 : vector<80x128xf32>
      %select_n3A_71 = arith.select %eq3A_66, %dot_general3A_64, %add3A_70 : vector<80x128xf32>
      %swap3A = arith.constant 0 : index
      %swap3A_72 = arith.constant 0 : index
      %swap3A_73 = vector.load %arg7[%swap3A, %swap3A_72] : memref<80x128xf32, #tpu.memory_space<vmem>>, vector<80x128xf32>
      tpu.vector_store %arg7[%swap3A, %swap3A_72], %select_n3A_71 {strides = array<i32>} : memref<80x128xf32, #tpu.memory_space<vmem>>, vector<80x128xf32>,
    } else {
    }
    %ge3A = arith.constant 16 : i32
    %ge3A_2 = arith.cmpi sge, %arg0, %ge3A : i32
    %convert_element_type3A_3 = arith.extui %ge3A_2 : i1 to i32
    %cond3A_4 = arith.constant 0 : i32
    %cond3A_5 = arith.cmpi ne, %convert_element_type3A_3, %cond3A_4 : i32
    scf.if %cond3A_5 {
      %sub3A = arith.constant 16 : i32
      %sub3A_6 = arith.subi %arg0, %sub3A : i32
      %mul3A = arith.constant 16 : i32
      %mul3A_7 = arith.muli %sub3A_6, %mul3A : i32
      %get3A = arith.index_cast %mul3A_7 : i32 to index
      %get3A_8 = arith.constant 0 : index
      %get3A_9 = vector.load %arg7[%get3A, %get3A_8] : memref<80x128xf32, #tpu.memory_space<vmem>>, vector<16x128xf32>
      %iota3A = tpu.iota {dimensions = array<i32: 0>} : vector<2048x16xi32>
      %jit3A = arith.constant 128 : i32
      %div3A = vector.broadcast %jit3A : i32 to vector<2048x16xi32>
      %div3A_10 = arith.divsi %iota3A, %div3A : vector<2048x16xi32>
      %sign3A = arith.constant 0 : i32
      %sign3A_11 = vector.broadcast %sign3A : i32 to vector<2048x16xi32>
      %sign3A_12 = arith.cmpi sgt, %iota3A, %sign3A_11 : vector<2048x16xi32>
      %sign3A_13 = arith.extui %sign3A_12 : vector<2048x16xi1> to vector<2048x16xi32>
      %sign3A_14 = arith.constant 0 : i32
      %sign3A_15 = vector.broadcast %sign3A_14 : i32 to vector<2048x16xi32>
      %sign3A_16 = arith.cmpi slt, %iota3A, %sign3A_15 : vector<2048x16xi32>
      %sign3A_17 = arith.extui %sign3A_16 : vector<2048x16xi1> to vector<2048x16xi32>
      %sign3A_18 = arith.subi %sign3A_13, %sign3A_17 : vector<2048x16xi32>
      %sign3A_19 = arith.constant 0 : i32
      %sign3A_20 = arith.cmpi sgt, %jit3A, %sign3A_19 : i32
      %sign3A_21 = arith.extui %sign3A_20 : i1 to i32
      %sign3A_22 = arith.constant 0 : i32
      %sign3A_23 = arith.cmpi slt, %jit3A, %sign3A_22 : i32
      %sign3A_24 = arith.extui %sign3A_23 : i1 to i32
      %sign3A_25 = arith.subi %sign3A_21, %sign3A_24 : i32
      %ne3A = vector.broadcast %sign3A_25 : i32 to vector<2048x16xi32>
      %ne3A_26 = arith.cmpi ne, %sign3A_18, %ne3A : vector<2048x16xi32>
      %rem3A = vector.broadcast %jit3A : i32 to vector<2048x16xi32>
      %rem3A_27 = arith.remsi %iota3A, %rem3A : vector<2048x16xi32>
      %ne3A_28 = arith.constant 0 : i32
      %ne3A_29 = vector.broadcast %ne3A_28 : i32 to vector<2048x16xi32>
      %ne3A_30 = arith.cmpi ne, %rem3A_27, %ne3A_29 : vector<2048x16xi32>
      %and3A = arith.andi %ne3A_26, %ne3A_30 : vector<2048x16xi1>
      %sub3A_31 = arith.constant 1 : i32
      %sub3A_32 = vector.broadcast %sub3A_31 : i32 to vector<2048x16xi32>
      %sub3A_33 = arith.subi %div3A_10, %sub3A_32 : vector<2048x16xi32>
      %select_n3A = arith.select %and3A, %sub3A_33, %div3A_10 : vector<2048x16xi1>, vector<2048x16xi32>
      %iota3A_34 = tpu.iota {dimensions = array<i32: 1>} : vector<2048x16xi32>
      %eq3A = arith.cmpi eq, %select_n3A, %iota3A_34 : vector<2048x16xi32>
      %convert_element_type3A_35 = arith.extui %eq3A : vector<2048x16xi1> to vector<2048x16xi32>
      %convert_element_type3A_36 = arith.sitofp %convert_element_type3A_35 : vector<2048x16xi32> to vector<2048x16xf32>
      %dot_general3A = arith.constant dense<0.000000e+00> : vector<2048x128xf32>
      %dot_general3A_37 = tpu.matmul %convert_element_type3A_36, %get3A_9, %dot_general3A {dimension_numbers = #tpu.dot_dimension_numbers<[1], [0], [0], [1], [0, 0, 1, 1], [], []>, transpose_lhs_hint = false} : vector<2048x16xf32>, vector<16x128xf32>, vector<2048x128xf32> -> vector<2048x128xf32>
      %iota3A_38 = tpu.iota {dimensions = array<i32: 0>} : vector<2048x128xi32>
      %jit3A_39 = arith.constant 128 : i32
      %eq3A_40 = arith.constant 0 : i32
      %eq3A_41 = arith.cmpi eq, %jit3A_39, %eq3A_40 : i32
      %jit3A_42 = arith.constant 1 : i32
      %select_n3A_43 = arith.select %eq3A_41, %jit3A_42, %jit3A_39 : i32
      %rem3A_44 = vector.broadcast %select_n3A_43 : i32 to vector<2048x128xi32>
      %rem3A_45 = arith.remsi %iota3A_38, %rem3A_44 : vector<2048x128xi32>
      %ne3A_46 = arith.constant 0 : i32
      %ne3A_47 = vector.broadcast %ne3A_46 : i32 to vector<2048x128xi32>
      %ne3A_48 = arith.cmpi ne, %rem3A_45, %ne3A_47 : vector<2048x128xi32>
      %lt3A_49 = arith.constant 0 : i32
      %lt3A_50 = vector.broadcast %lt3A_49 : i32 to vector<2048x128xi32>
      %lt3A_51 = arith.cmpi slt, %rem3A_45, %lt3A_50 : vector<2048x128xi32>
      %lt3A_52 = arith.constant 0 : i32
      %lt3A_53 = arith.cmpi slt, %select_n3A_43, %lt3A_52 : i32
      %ne3A_54 = vector.broadcast %lt3A_53 : i1 to vector<2048x128xi1>
      %ne3A_55 = vector.broadcast %ne3A_54 : vector<2048x128xi1> to vector<2048x128xi1>
      %ne3A_56 = arith.xori %lt3A_51, %ne3A_55 : vector<2048x128xi1>
      %and3A_57 = arith.andi %ne3A_56, %ne3A_48 : vector<2048x128xi1>
      %add3A = vector.broadcast %select_n3A_43 : i32 to vector<2048x128xi32>
      %add3A_58 = arith.addi %rem3A_45, %add3A : vector<2048x128xi32>
      %select_n3A_59 = arith.select %and3A_57, %add3A_58, %rem3A_45 : vector<2048x128xi1>, vector<2048x128xi32>
      %iota3A_60 = tpu.iota {dimensions = array<i32: 1>} : vector<2048x128xi32>
      %eq3A_61 = arith.cmpi eq, %select_n3A_59, %iota3A_60 : vector<2048x128xi32>
      %jit3A_62 = arith.constant 0.000000e+00 : f32
      %broadcast_in_dim3A = vector.broadcast %jit3A_62 : f32 to vector<2048x128xf32>
      %select_n3A_63 = arith.select %eq3A_61, %dot_general3A_37, %broadcast_in_dim3A : vector<2048x128xi1>, vector<2048x128xf32>
      %reduce_sum3A = arith.constant dense<0.000000e+00> : vector<2048xf32>
      %reduce_sum3A_64 = vector.multi_reduction <add>, %select_n3A_63, %reduce_sum3A [1] : vector<2048x128xf32> to vector<2048xf32>
      %add3A_65 = arith.constant 1.000000e+00 : f32
      %add3A_66 = vector.broadcast %add3A_65 : f32 to vector<2048xf32>
      %add3A_67 = arith.addf %reduce_sum3A_64, %add3A_66 : vector<2048xf32>
      %max3A = arith.constant 9.99999996E-13 : f32
      %max3A_68 = vector.broadcast %max3A : f32 to vector<2048xf32>
      %max3A_69 = arith.maximumf %add3A_67, %max3A_68 : vector<2048xf32>
      %rsqrt3A = math.rsqrt %max3A_69 : vector<2048xf32>
      %swap3A = arith.constant 0 : index
      %swap3A_70 = arith.constant 0 : index
      %swap3A_71 = arith.constant 0 : index
      %swap3A_72 = vector.load %arg6[%swap3A, %swap3A_70, %swap3A_71] : memref<1x1x2048xf32, #tpu.memory_space<vmem>>, vector<1x1x2048xf32>
      %swap3A_73 = vector.shape_cast %swap3A_72 : vector<1x1x2048xf32> to vector<2048xf32>
      %swap3A_74 = vector.shape_cast %rsqrt3A : vector<2048xf32> to vector<1x1x2048xf32>
      tpu.vector_store %arg6[%swap3A, %swap3A_70, %swap3A_71], %swap3A_74 {strides = array<i32>} : memref<1x1x2048xf32, #tpu.memory_space<vmem>>, vector<1x1x2048xf32>,
      %broadcast_in_dim3A_75 = vector.shape_cast %rsqrt3A : vector<2048xf32> to vector<2048x1xf32>
      %get3A_76 = arith.constant 0 : index
      %get3A_77 = arith.constant 0 : index
      %get3A_78 = vector.load %arg2[%get3A_76, %get3A_77] : memref<2048x256xf32, #tpu.memory_space<vmem>>, vector<2048x256xf32>
      %get3A_79 = arith.constant 0 : index
      %get3A_80 = arith.constant 0 : index
      %get3A_81 = vector.load %arg3[%get3A_79, %get3A_80] : memref<256x256xf32, #tpu.memory_space<vmem>>, vector<256x256xf32>
      %dot_general3A_82 = arith.constant dense<0.000000e+00> : vector<2048x256xf32>
      %dot_general3A_83 = tpu.matmul %get3A_78, %get3A_81, %dot_general3A_82 {dimension_numbers = #tpu.dot_dimension_numbers<[1], [0], [0], [1], [0, 0, 1, 1], [], []>, transpose_lhs_hint = false} : vector<2048x256xf32>, vector<256x256xf32>, vector<2048x256xf32> -> vector<2048x256xf32>
      %get3A_84 = arith.constant 0 : index
      %get3A_85 = arith.constant 0 : index
      %get3A_86 = vector.load %arg4[%get3A_84, %get3A_85] : memref<256x256xf32, #tpu.memory_space<vmem>>, vector<256x256xf32>
      %dot_general3A_87 = arith.constant dense<0.000000e+00> : vector<2048x256xf32>
      %dot_general3A_88 = tpu.matmul %get3A_78, %get3A_86, %dot_general3A_87 {dimension_numbers = #tpu.dot_dimension_numbers<[1], [0], [0], [1], [0, 0, 1, 1], [], []>, transpose_lhs_hint = false} : vector<2048x256xf32>, vector<256x256xf32>, vector<2048x256xf32> -> vector<2048x256xf32>
      %slice3A = vector.extract_strided_slice %dot_general3A_83 {offsets = [0, 0], sizes = [2048, 128], strides = [1, 1]} : vector<2048x256xf32> to vector<2048x128xf32>
      %mul3A_89 = vector.broadcast %broadcast_in_dim3A_75 : vector<2048x1xf32> to vector<2048x128xf32>
      %mul3A_90 = arith.mulf %slice3A, %mul3A_89 : vector<2048x128xf32>
      %swap3A_91 = arith.constant 0 : index
      %swap3A_92 = arith.constant 0 : index
      %swap3A_93 = arith.constant 0 : index
      %swap3A_94 = vector.load %arg5[%swap3A_91, %swap3A_92, %swap3A_93] : memref<4x2048x128xf32, #tpu.memory_space<vmem>>, vector<1x2048x128xf32>
      %swap3A_95 = vector.shape_cast %swap3A_94 : vector<1x2048x128xf32> to vector<2048x128xf32>
      %swap3A_96 = vector.shape_cast %mul3A_90 : vector<2048x128xf32> to vector<1x2048x128xf32>
      tpu.vector_store %arg5[%swap3A_91, %swap3A_92, %swap3A_93], %swap3A_96 {strides = array<i32>} : memref<4x2048x128xf32, #tpu.memory_space<vmem>>, vector<1x2048x128xf32>,
      %slice3A_97 = vector.extract_strided_slice %dot_general3A_83 {offsets = [0, 128], sizes = [2048, 128], strides = [1, 1]} : vector<2048x256xf32> to vector<2048x128xf32>
      %mul3A_98 = vector.broadcast %broadcast_in_dim3A_75 : vector<2048x1xf32> to vector<2048x128xf32>
      %mul3A_99 = arith.mulf %slice3A_97, %mul3A_98 : vector<2048x128xf32>
      %swap3A_100 = arith.constant 1 : index
      %swap3A_101 = arith.constant 0 : index
      %swap3A_102 = arith.constant 0 : index
      %swap3A_103 = vector.load %arg5[%swap3A_100, %swap3A_101, %swap3A_102] : memref<4x2048x128xf32, #tpu.memory_space<vmem>>, vector<1x2048x128xf32>
      %swap3A_104 = vector.shape_cast %swap3A_103 : vector<1x2048x128xf32> to vector<2048x128xf32>
      %swap3A_105 = vector.shape_cast %mul3A_99 : vector<2048x128xf32> to vector<1x2048x128xf32>
      tpu.vector_store %arg5[%swap3A_100, %swap3A_101, %swap3A_102], %swap3A_105 {strides = array<i32>} : memref<4x2048x128xf32, #tpu.memory_space<vmem>>, vector<1x2048x128xf32>,
      %slice3A_106 = vector.extract_strided_slice %dot_general3A_88 {offsets = [0, 0], sizes = [2048, 128], strides = [1, 1]} : vector<2048x256xf32> to vector<2048x128xf32>
      %mul3A_107 = vector.broadcast %broadcast_in_dim3A_75 : vector<2048x1xf32> to vector<2048x128xf32>
      %mul3A_108 = arith.mulf %slice3A_106, %mul3A_107 : vector<2048x128xf32>
      %swap3A_109 = arith.constant 2 : index
      %swap3A_110 = arith.constant 0 : index
      %swap3A_111 = arith.constant 0 : index
      %swap3A_112 = vector.load %arg5[%swap3A_109, %swap3A_110, %swap3A_111] : memref<4x2048x128xf32, #tpu.memory_space<vmem>>, vector<1x2048x128xf32>
      %swap3A_113 = vector.shape_cast %swap3A_112 : vector<1x2048x128xf32> to vector<2048x128xf32>
      %swap3A_114 = vector.shape_cast %mul3A_108 : vector<2048x128xf32> to vector<1x2048x128xf32>
      tpu.vector_store %arg5[%swap3A_109, %swap3A_110, %swap3A_111], %swap3A_114 {strides = array<i32>} : memref<4x2048x128xf32, #tpu.memory_space<vmem>>, vector<1x2048x128xf32>,
      %slice3A_115 = vector.extract_strided_slice %dot_general3A_88 {offsets = [0, 128], sizes = [2048, 128], strides = [1, 1]} : vector<2048x256xf32> to vector<2048x128xf32>
      %mul3A_116 = vector.broadcast %broadcast_in_dim3A_75 : vector<2048x1xf32> to vector<2048x128xf32>
      %mul3A_117 = arith.mulf %slice3A_115, %mul3A_116 : vector<2048x128xf32>
      %swap3A_118 = arith.constant 3 : index
      %swap3A_119 = arith.constant 0 : index
      %swap3A_120 = arith.constant 0 : index
      %swap3A_121 = vector.load %arg5[%swap3A_118, %swap3A_119, %swap3A_120] : memref<4x2048x128xf32, #tpu.memory_space<vmem>>, vector<1x2048x128xf32>
      %swap3A_122 = vector.shape_cast %swap3A_121 : vector<1x2048x128xf32> to vector<2048x128xf32>
      %swap3A_123 = vector.shape_cast %mul3A_117 : vector<2048x128xf32> to vector<1x2048x128xf32>
      tpu.vector_store %arg5[%swap3A_118, %swap3A_119, %swap3A_120], %swap3A_123 {strides = array<i32>} : memref<4x2048x128xf32, #tpu.memory_space<vmem>>, vector<1x2048x128xf32>,
    } else {
    }
    return
  }
  func.func @transform_0(%arg0: i32) -> (i32, i32, i32) {
    %min3A = arith.constant 15 : i32
    %min3A_0 = arith.minsi %arg0, %min3A : i32
    %c0_i32 = arith.constant 0 : i32
    %c0_i32_1 = arith.constant 0 : i32
    %c0_i32_2 = arith.constant 0 : i32
    return %min3A_0, %c0_i32, %c0_i32_1 : i32, i32, i32
  }
  func.func @transform_1(%arg0: i32) -> (i32, i32) {
    %sub3A = arith.constant 16 : i32
    %sub3A_0 = arith.subi %arg0, %sub3A : i32
    %max3A = arith.constant 0 : i32
    %max3A_1 = arith.maxsi %sub3A_0, %max3A : i32
    %c0_i32 = arith.constant 0 : i32
    %c0_i32_2 = arith.constant 0 : i32
    return %max3A_1, %c0_i32 : i32, i32
  }
  func.func @transform_2(%arg0: i32) -> (i32, i32) {
    %c0_i32 = arith.constant 0 : i32
    %c0_i32_0 = arith.constant 0 : i32
    %c0_i32_1 = arith.constant 0 : i32
    return %c0_i32, %c0_i32_0 : i32, i32
  }
  func.func @transform_3(%arg0: i32) -> (i32, i32) {
    %c0_i32 = arith.constant 0 : i32
    %c0_i32_0 = arith.constant 0 : i32
    %c0_i32_1 = arith.constant 0 : i32
    return %c0_i32, %c0_i32_0 : i32, i32
  }
  func.func @transform_4(%arg0: i32) -> (i32, i32, i32) {
    %sub3A = arith.constant 16 : i32
    %sub3A_0 = arith.subi %arg0, %sub3A : i32
    %max3A = arith.constant 0 : i32
    %max3A_1 = arith.maxsi %sub3A_0, %max3A : i32
    %c0_i32 = arith.constant 0 : i32
    %c0_i32_2 = arith.constant 0 : i32
    %c0_i32_3 = arith.constant 0 : i32
    return %c0_i32, %max3A_1, %c0_i32_2 : i32, i32, i32
  }
  func.func @transform_5(%arg0: i32) -> (i32, i32, i32) {
    %sub3A = arith.constant 16 : i32
    %sub3A_0 = arith.subi %arg0, %sub3A : i32
    %max3A = arith.constant 0 : i32
    %max3A_1 = arith.maxsi %sub3A_0, %max3A : i32
    %c0_i32 = arith.constant 0 : i32
    %c0_i32_2 = arith.constant 0 : i32
    %c0_i32_3 = arith.constant 0 : i32
    return %max3A_1, %c0_i32, %c0_i32_2 : i32, i32, i32
  }
}

module attributes {stable_mosaic.version = 14 : i64} {
  func.func @_k2_body(%arg0: i32, %arg1: memref<4x2048x128xf32, #tpu.memory_space<vmem>>, %arg2: memref<1x1x2048xf32, #tpu.memory_space<vmem>>, %arg3: memref<2048x256xf32, #tpu.memory_space<vmem>>, %arg4: memref<256xf32, #tpu.memory_space<vmem>>, %arg5: memref<256xf32, #tpu.memory_space<vmem>>, %arg6: memref<256x128xf32, #tpu.memory_space<vmem>>, %arg7: memref<128xf32, #tpu.memory_space<vmem>>, %arg8: memref<128x64xf32, #tpu.memory_space<vmem>>, %arg9: memref<64xf32, #tpu.memory_space<vmem>>, %arg10: memref<64x128xf32, #tpu.memory_space<vmem>>, %arg11: memref<128xf32, #tpu.memory_space<vmem>>, %arg12: memref<256x128xf32, #tpu.memory_space<vmem>>, %arg13: memref<128xf32, #tpu.memory_space<vmem>>, %arg14: memref<128x64xf32, #tpu.memory_space<vmem>>, %arg15: memref<64xf32, #tpu.memory_space<vmem>>, %arg16: memref<64x128xf32, #tpu.memory_space<vmem>>, %arg17: memref<1x1xf32, #tpu.memory_space<vmem>>, %arg18: memref<1x1x2048xf32, #tpu.memory_space<vmem>>, %arg19: memref<1x1x2048xf32, #tpu.memory_space<vmem>>, %arg20: memref<1x1xf32, #tpu.memory_space<vmem>>, %arg21: memref<1x256xf32, #tpu.memory_space<vmem>>) attributes {dimension_semantics = [#tpu.dimension_semantics<arbitrary>], iteration_bounds = array<i64: 5>, scalar_prefetch = 0 : i64, scratch_operands = 1 : i64, tpu.core_type = #tpu.core_type<tc>, window_params = [{transform_indices = @transform_0, window_bounds = array<i64: 4, 2048, 128>}, {transform_indices = @transform_1, window_bounds = array<i64: 1, 1, 2048>}, {transform_indices = @transform_2, window_bounds = array<i64: 2048, 256>}, {pipeline_mode = #tpu.pipeline_mode<synchronous>, transform_indices = @transform_3, window_bounds = array<i64: 256>}, {pipeline_mode = #tpu.pipeline_mode<synchronous>, transform_indices = @transform_4, window_bounds = array<i64: 256>}, {pipeline_mode = #tpu.pipeline_mode<synchronous>, transform_indices = @transform_5, window_bounds = array<i64: 256, 128>}, {pipeline_mode = #tpu.pipeline_mode<synchronous>, transform_indices = @transform_6, window_bounds = array<i64: 128>}, {pipeline_mode = #tpu.pipeline_mode<synchronous>, transform_indices = @transform_7, window_bounds = array<i64: 128, 64>}, {pipeline_mode = #tpu.pipeline_mode<synchronous>, transform_indices = @transform_8, window_bounds = array<i64: 64>}, {pipeline_mode = #tpu.pipeline_mode<synchronous>, transform_indices = @transform_9, window_bounds = array<i64: 64, 128>}, {pipeline_mode = #tpu.pipeline_mode<synchronous>, transform_indices = @transform_10, window_bounds = array<i64: 128>}, {pipeline_mode = #tpu.pipeline_mode<synchronous>, transform_indices = @transform_11, window_bounds = array<i64: 256, 128>}, {pipeline_mode = #tpu.pipeline_mode<synchronous>, transform_indices = @transform_12, window_bounds = array<i64: 128>}, {pipeline_mode = #tpu.pipeline_mode<synchronous>, transform_indices = @transform_13, window_bounds = array<i64: 128, 64>}, {pipeline_mode = #tpu.pipeline_mode<synchronous>, transform_indices = @transform_14, window_bounds = array<i64: 64>}, {pipeline_mode = #tpu.pipeline_mode<synchronous>, transform_indices = @transform_15, window_bounds = array<i64: 64, 128>}, {pipeline_mode = #tpu.pipeline_mode<synchronous>, transform_indices = @transform_16, window_bounds = array<i64: 1, 1>}, {transform_indices = @transform_17, window_bounds = array<i64: 1, 1, 2048>}, {transform_indices = @transform_18, window_bounds = array<i64: 1, 1, 2048>}, {pipeline_mode = #tpu.pipeline_mode<synchronous>, transform_indices = @transform_19, window_bounds = array<i64: 1, 1>}]} {
    %get3A = arith.constant 0 : index
    %get3A_0 = arith.constant 0 : index
    %get3A_1 = arith.constant 0 : index
    %get3A_2 = vector.load %arg2[%get3A, %get3A_0, %get3A_1] : memref<1x1x2048xf32, #tpu.memory_space<vmem>>, vector<1x1x2048xf32>
    %get3A_3 = vector.shape_cast %get3A_2 : vector<1x1x2048xf32> to vector<2048xf32>
    %broadcast_in_dim3A = vector.shape_cast %get3A_3 : vector<2048xf32> to vector<2048x1xf32>
    %get3A_4 = arith.constant 0 : index
    %get3A_5 = arith.constant 0 : index
    %get3A_6 = vector.load %arg3[%get3A_4, %get3A_5] : memref<2048x256xf32, #tpu.memory_space<vmem>>, vector<2048x256xf32>
    %mul3A = arith.constant 2048 : i32
    %mul3A_7 = arith.muli %arg0, %mul3A : i32
    %iota3A = tpu.iota {dimensions = array<i32: 0>} : vector<2048x1xi32>
    %add3A = vector.broadcast %mul3A_7 : i32 to vector<2048x1xi32>
    %add3A_8 = arith.addi %add3A, %iota3A : vector<2048x1xi32>
    %lt3A = arith.constant 10000 : i32
    %lt3A_9 = vector.broadcast %lt3A : i32 to vector<2048x1xi32>
    %lt3A_10 = arith.cmpi slt, %add3A_8, %lt3A_9 : vector<2048x1xi32>
    %get3A_11 = arith.constant 0 : index
    %get3A_12 = arith.constant 0 : index
    %get3A_13 = arith.constant 0 : index
    %get3A_14 = vector.load %arg1[%get3A_11, %get3A_12, %get3A_13] : memref<4x2048x128xf32, #tpu.memory_space<vmem>>, vector<1x2048x128xf32>
    %get3A_15 = vector.shape_cast %get3A_14 : vector<1x2048x128xf32> to vector<2048x128xf32>
    %get3A_16 = arith.constant 1 : index
    %get3A_17 = arith.constant 0 : index
    %get3A_18 = arith.constant 0 : index
    %get3A_19 = vector.load %arg1[%get3A_16, %get3A_17, %get3A_18] : memref<4x2048x128xf32, #tpu.memory_space<vmem>>, vector<1x2048x128xf32>
    %get3A_20 = vector.shape_cast %get3A_19 : vector<1x2048x128xf32> to vector<2048x128xf32>
    %concatenate3A = tpu.concatenate %get3A_15, %get3A_20 in 1 : vector<2048x128xf32>, vector<2048x128xf32> -> vector<2048x256xf32>
    %mul3A_21 = vector.broadcast %broadcast_in_dim3A : vector<2048x1xf32> to vector<2048x256xf32>
    %mul3A_22 = arith.mulf %concatenate3A, %mul3A_21 : vector<2048x256xf32>
    %get3A_23 = arith.constant 0 : index
    %get3A_24 = vector.load %arg4[%get3A_23] : memref<256xf32, #tpu.memory_space<vmem>>, vector<256xf32>
    %broadcast_in_dim3A_25 = vector.shape_cast %get3A_24 : vector<256xf32> to vector<1x256xf32>
    %add3A_26 = vector.broadcast %broadcast_in_dim3A_25 : vector<1x256xf32> to vector<2048x256xf32>
    %add3A_27 = arith.addf %mul3A_22, %add3A_26 : vector<2048x256xf32>
    %max3A = arith.constant 0.000000e+00 : f32
    %max3A_28 = vector.broadcast %max3A : f32 to vector<2048x256xf32>
    %max3A_29 = arith.maximumf %add3A_27, %max3A_28 : vector<2048x256xf32>
    %add3A_30 = arith.addf %max3A_29, %get3A_6 : vector<2048x256xf32>
    %get3A_31 = arith.constant 0 : index
    %get3A_32 = arith.constant 0 : index
    %get3A_33 = vector.load %arg6[%get3A_31, %get3A_32] : memref<256x128xf32, #tpu.memory_space<vmem>>, vector<256x128xf32>
    %dot_general3A = arith.constant dense<0.000000e+00> : vector<2048x128xf32>
    %dot_general3A_34 = tpu.matmul %add3A_30, %get3A_33, %dot_general3A {dimension_numbers = #tpu.dot_dimension_numbers<[1], [0], [0], [1], [0, 0, 1, 1], [], []>, transpose_lhs_hint = false} : vector<2048x256xf32>, vector<256x128xf32>, vector<2048x128xf32> -> vector<2048x128xf32>
    %get3A_35 = arith.constant 0 : index
    %get3A_36 = vector.load %arg7[%get3A_35] : memref<128xf32, #tpu.memory_space<vmem>>, vector<128xf32>
    %broadcast_in_dim3A_37 = vector.shape_cast %get3A_36 : vector<128xf32> to vector<1x128xf32>
    %add3A_38 = vector.broadcast %broadcast_in_dim3A_37 : vector<1x128xf32> to vector<2048x128xf32>
    %add3A_39 = arith.addf %dot_general3A_34, %add3A_38 : vector<2048x128xf32>
    %max3A_40 = arith.constant 0.000000e+00 : f32
    %max3A_41 = vector.broadcast %max3A_40 : f32 to vector<2048x128xf32>
    %max3A_42 = arith.maximumf %add3A_39, %max3A_41 : vector<2048x128xf32>
    %get3A_43 = arith.constant 0 : index
    %get3A_44 = arith.constant 0 : index
    %get3A_45 = vector.load %arg8[%get3A_43, %get3A_44] : memref<128x64xf32, #tpu.memory_space<vmem>>, vector<128x64xf32>
    %dot_general3A_46 = arith.constant dense<0.000000e+00> : vector<2048x64xf32>
    %dot_general3A_47 = tpu.matmul %max3A_42, %get3A_45, %dot_general3A_46 {dimension_numbers = #tpu.dot_dimension_numbers<[1], [0], [0], [1], [0, 0, 1, 1], [], []>, transpose_lhs_hint = false} : vector<2048x128xf32>, vector<128x64xf32>, vector<2048x64xf32> -> vector<2048x64xf32>
    %get3A_48 = arith.constant 0 : index
    %get3A_49 = vector.load %arg9[%get3A_48] : memref<64xf32, #tpu.memory_space<vmem>>, vector<64xf32>
    %broadcast_in_dim3A_50 = vector.shape_cast %get3A_49 : vector<64xf32> to vector<1x64xf32>
    %add3A_51 = vector.broadcast %broadcast_in_dim3A_50 : vector<1x64xf32> to vector<2048x64xf32>
    %add3A_52 = arith.addf %dot_general3A_47, %add3A_51 : vector<2048x64xf32>
    %max3A_53 = arith.constant 0.000000e+00 : f32
    %max3A_54 = vector.broadcast %max3A_53 : f32 to vector<2048x64xf32>
    %max3A_55 = arith.maximumf %add3A_52, %max3A_54 : vector<2048x64xf32>
    %get3A_56 = arith.constant 0 : index
    %get3A_57 = arith.constant 0 : index
    %get3A_58 = vector.load %arg10[%get3A_56, %get3A_57] : memref<64x128xf32, #tpu.memory_space<vmem>>, vector<64x128xf32>
    %dot_general3A_59 = arith.constant dense<0.000000e+00> : vector<2048x128xf32>
    %dot_general3A_60 = tpu.matmul %max3A_55, %get3A_58, %dot_general3A_59 {dimension_numbers = #tpu.dot_dimension_numbers<[1], [0], [0], [1], [0, 0, 1, 1], [], []>, transpose_lhs_hint = false} : vector<2048x64xf32>, vector<64x128xf32>, vector<2048x128xf32> -> vector<2048x128xf32>
    %get3A_61 = arith.constant 0 : index
    %get3A_62 = vector.load %arg11[%get3A_61] : memref<128xf32, #tpu.memory_space<vmem>>, vector<128xf32>
    %broadcast_in_dim3A_63 = vector.shape_cast %get3A_62 : vector<128xf32> to vector<1x128xf32>
    %add3A_64 = vector.broadcast %broadcast_in_dim3A_63 : vector<1x128xf32> to vector<2048x128xf32>
    %add3A_65 = arith.addf %dot_general3A_60, %add3A_64 : vector<2048x128xf32>
    %slice3A = vector.extract_strided_slice %add3A_65 {offsets = [0, 0], sizes = [2048, 1], strides = [1, 1]} : vector<2048x128xf32> to vector<2048x1xf32>
    %squeeze3A = vector.shape_cast %slice3A : vector<2048x1xf32> to vector<2048xf32>
    %max3A_66 = arith.constant 0.000000e+00 : f32
    %max3A_67 = vector.broadcast %max3A_66 : f32 to vector<2048xf32>
    %max3A_68 = arith.maximumf %squeeze3A, %max3A_67 : vector<2048xf32>
    %abs3A = math.absf %squeeze3A : vector<2048xf32>
    %neg3A = arith.constant 0.000000e+00 : f32
    %neg3A_69 = vector.broadcast %neg3A : f32 to vector<2048xf32>
    %neg3A_70 = arith.subf %neg3A_69, %abs3A : vector<2048xf32>
    %exp3A = math.exp %neg3A_70 : vector<2048xf32>
    %log1p3A = math.log1p %exp3A : vector<2048xf32>
    %add3A_71 = arith.addf %max3A_68, %log1p3A : vector<2048xf32>
    %add3A_72 = arith.constant 9.99999968E-21 : f32
    %add3A_73 = vector.broadcast %add3A_72 : f32 to vector<2048xf32>
    %add3A_74 = arith.addf %add3A_71, %add3A_73 : vector<2048xf32>
    %swap3A = arith.constant 0 : index
    %swap3A_75 = arith.constant 0 : index
    %swap3A_76 = arith.constant 0 : index
    %swap3A_77 = vector.load %arg18[%swap3A, %swap3A_75, %swap3A_76] : memref<1x1x2048xf32, #tpu.memory_space<vmem>>, vector<1x1x2048xf32>
    %swap3A_78 = vector.shape_cast %swap3A_77 : vector<1x1x2048xf32> to vector<2048xf32>
    %swap3A_79 = vector.shape_cast %add3A_74 : vector<2048xf32> to vector<1x1x2048xf32>
    tpu.vector_store %arg18[%swap3A, %swap3A_75, %swap3A_76], %swap3A_79 {strides = array<i32>} : memref<1x1x2048xf32, #tpu.memory_space<vmem>>, vector<1x1x2048xf32>,
    %slice3A_80 = vector.extract_strided_slice %add3A_65 {offsets = [0, 1], sizes = [2048, 1], strides = [1, 1]} : vector<2048x128xf32> to vector<2048x1xf32>
    %squeeze3A_81 = vector.shape_cast %slice3A_80 : vector<2048x1xf32> to vector<2048xf32>
    %neg3A_82 = arith.constant 0.000000e+00 : f32
    %neg3A_83 = vector.broadcast %neg3A_82 : f32 to vector<2048xf32>
    %neg3A_84 = arith.subf %neg3A_83, %squeeze3A_81 : vector<2048xf32>
    %exp3A_85 = math.exp %neg3A_84 : vector<2048xf32>
    %add3A_86 = arith.constant 1.000000e+00 : f32
    %add3A_87 = vector.broadcast %add3A_86 : f32 to vector<2048xf32>
    %add3A_88 = arith.addf %add3A_87, %exp3A_85 : vector<2048xf32>
    %div3A = arith.constant 1.000000e+00 : f32
    %div3A_89 = vector.broadcast %div3A : f32 to vector<2048xf32>
    %div3A_90 = arith.divf %div3A_89, %add3A_88 : vector<2048xf32>
    %swap3A_91 = arith.constant 0 : index
    %swap3A_92 = arith.constant 0 : index
    %swap3A_93 = arith.constant 0 : index
    %swap3A_94 = vector.load %arg19[%swap3A_91, %swap3A_92, %swap3A_93] : memref<1x1x2048xf32, #tpu.memory_space<vmem>>, vector<1x1x2048xf32>
    %swap3A_95 = vector.shape_cast %swap3A_94 : vector<1x1x2048xf32> to vector<2048xf32>
    %swap3A_96 = vector.shape_cast %div3A_90 : vector<2048xf32> to vector<1x1x2048xf32>
    tpu.vector_store %arg19[%swap3A_91, %swap3A_92, %swap3A_93], %swap3A_96 {strides = array<i32>} : memref<1x1x2048xf32, #tpu.memory_space<vmem>>, vector<1x1x2048xf32>,
    %get3A_97 = arith.constant 2 : index
    %get3A_98 = arith.constant 0 : index
    %get3A_99 = arith.constant 0 : index
    %get3A_100 = vector.load %arg1[%get3A_97, %get3A_98, %get3A_99] : memref<4x2048x128xf32, #tpu.memory_space<vmem>>, vector<1x2048x128xf32>
    %get3A_101 = vector.shape_cast %get3A_100 : vector<1x2048x128xf32> to vector<2048x128xf32>
    %get3A_102 = arith.constant 3 : index
    %get3A_103 = arith.constant 0 : index
    %get3A_104 = arith.constant 0 : index
    %get3A_105 = vector.load %arg1[%get3A_102, %get3A_103, %get3A_104] : memref<4x2048x128xf32, #tpu.memory_space<vmem>>, vector<1x2048x128xf32>
    %get3A_106 = vector.shape_cast %get3A_105 : vector<1x2048x128xf32> to vector<2048x128xf32>
    %concatenate3A_107 = tpu.concatenate %get3A_101, %get3A_106 in 1 : vector<2048x128xf32>, vector<2048x128xf32> -> vector<2048x256xf32>
    %mul3A_108 = vector.broadcast %broadcast_in_dim3A : vector<2048x1xf32> to vector<2048x256xf32>
    %mul3A_109 = arith.mulf %concatenate3A_107, %mul3A_108 : vector<2048x256xf32>
    %get3A_110 = arith.constant 0 : index
    %get3A_111 = vector.load %arg5[%get3A_110] : memref<256xf32, #tpu.memory_space<vmem>>, vector<256xf32>
    %broadcast_in_dim3A_112 = vector.shape_cast %get3A_111 : vector<256xf32> to vector<1x256xf32>
    %add3A_113 = vector.broadcast %broadcast_in_dim3A_112 : vector<1x256xf32> to vector<2048x256xf32>
    %add3A_114 = arith.addf %mul3A_109, %add3A_113 : vector<2048x256xf32>
    %max3A_115 = arith.constant 0.000000e+00 : f32
    %max3A_116 = vector.broadcast %max3A_115 : f32 to vector<2048x256xf32>
    %max3A_117 = arith.maximumf %add3A_114, %max3A_116 : vector<2048x256xf32>
    %add3A_118 = arith.addf %max3A_117, %get3A_6 : vector<2048x256xf32>
    %jit3A = arith.constant 0.000000e+00 : f32
    %broadcast_in_dim3A_119 = vector.shape_cast %lt3A_10 : vector<2048x1xi1> to vector<2048x1xi1>
    %broadcast_in_dim3A_120 = vector.broadcast %broadcast_in_dim3A_119 : vector<2048x1xi1> to vector<2048x256xi1>
    %broadcast_in_dim3A_121 = vector.broadcast %jit3A : f32 to vector<2048x256xf32>
    %select_n3A = arith.select %broadcast_in_dim3A_120, %add3A_118, %broadcast_in_dim3A_121 : vector<2048x256xi1>, vector<2048x256xf32>
    %slice3A_122 = vector.extract_strided_slice %select_n3A {offsets = [0, 0], sizes = [128, 256], strides = [1, 1]} : vector<2048x256xf32> to vector<128x256xf32>
    %reduce_sum3A = arith.constant dense<0.000000e+00> : vector<256xf32>
    %reduce_sum3A_123 = vector.multi_reduction <add>, %slice3A_122, %reduce_sum3A [0] : vector<128x256xf32> to vector<256xf32>
    %slice3A_124 = vector.extract_strided_slice %select_n3A {offsets = [128, 0], sizes = [128, 256], strides = [1, 1]} : vector<2048x256xf32> to vector<128x256xf32>
    %reduce_sum3A_125 = arith.constant dense<0.000000e+00> : vector<256xf32>
    %reduce_sum3A_126 = vector.multi_reduction <add>, %slice3A_124, %reduce_sum3A_125 [0] : vector<128x256xf32> to vector<256xf32>
    %slice3A_127 = vector.extract_strided_slice %select_n3A {offsets = [256, 0], sizes = [128, 256], strides = [1, 1]} : vector<2048x256xf32> to vector<128x256xf32>
    %reduce_sum3A_128 = arith.constant dense<0.000000e+00> : vector<256xf32>
    %reduce_sum3A_129 = vector.multi_reduction <add>, %slice3A_127, %reduce_sum3A_128 [0] : vector<128x256xf32> to vector<256xf32>
    %slice3A_130 = vector.extract_strided_slice %select_n3A {offsets = [384, 0], sizes = [128, 256], strides = [1, 1]} : vector<2048x256xf32> to vector<128x256xf32>
    %reduce_sum3A_131 = arith.constant dense<0.000000e+00> : vector<256xf32>
    %reduce_sum3A_132 = vector.multi_reduction <add>, %slice3A_130, %reduce_sum3A_131 [0] : vector<128x256xf32> to vector<256xf32>
    %slice3A_133 = vector.extract_strided_slice %select_n3A {offsets = [512, 0], sizes = [128, 256], strides = [1, 1]} : vector<2048x256xf32> to vector<128x256xf32>
    %reduce_sum3A_134 = arith.constant dense<0.000000e+00> : vector<256xf32>
    %reduce_sum3A_135 = vector.multi_reduction <add>, %slice3A_133, %reduce_sum3A_134 [0] : vector<128x256xf32> to vector<256xf32>
    %slice3A_136 = vector.extract_strided_slice %select_n3A {offsets = [640, 0], sizes = [128, 256], strides = [1, 1]} : vector<2048x256xf32> to vector<128x256xf32>
    %reduce_sum3A_137 = arith.constant dense<0.000000e+00> : vector<256xf32>
    %reduce_sum3A_138 = vector.multi_reduction <add>, %slice3A_136, %reduce_sum3A_137 [0] : vector<128x256xf32> to vector<256xf32>
    %slice3A_139 = vector.extract_strided_slice %select_n3A {offsets = [768, 0], sizes = [128, 256], strides = [1, 1]} : vector<2048x256xf32> to vector<128x256xf32>
    %reduce_sum3A_140 = arith.constant dense<0.000000e+00> : vector<256xf32>
    %reduce_sum3A_141 = vector.multi_reduction <add>, %slice3A_139, %reduce_sum3A_140 [0] : vector<128x256xf32> to vector<256xf32>
    %slice3A_142 = vector.extract_strided_slice %select_n3A {offsets = [896, 0], sizes = [128, 256], strides = [1, 1]} : vector<2048x256xf32> to vector<128x256xf32>
    %reduce_sum3A_143 = arith.constant dense<0.000000e+00> : vector<256xf32>
    %reduce_sum3A_144 = vector.multi_reduction <add>, %slice3A_142, %reduce_sum3A_143 [0] : vector<128x256xf32> to vector<256xf32>
    %slice3A_145 = vector.extract_strided_slice %select_n3A {offsets = [1024, 0], sizes = [128, 256], strides = [1, 1]} : vector<2048x256xf32> to vector<128x256xf32>
    %reduce_sum3A_146 = arith.constant dense<0.000000e+00> : vector<256xf32>
    %reduce_sum3A_147 = vector.multi_reduction <add>, %slice3A_145, %reduce_sum3A_146 [0] : vector<128x256xf32> to vector<256xf32>
    %slice3A_148 = vector.extract_strided_slice %select_n3A {offsets = [1152, 0], sizes = [128, 256], strides = [1, 1]} : vector<2048x256xf32> to vector<128x256xf32>
    %reduce_sum3A_149 = arith.constant dense<0.000000e+00> : vector<256xf32>
    %reduce_sum3A_150 = vector.multi_reduction <add>, %slice3A_148, %reduce_sum3A_149 [0] : vector<128x256xf32> to vector<256xf32>
    %slice3A_151 = vector.extract_strided_slice %select_n3A {offsets = [1280, 0], sizes = [128, 256], strides = [1, 1]} : vector<2048x256xf32> to vector<128x256xf32>
    %reduce_sum3A_152 = arith.constant dense<0.000000e+00> : vector<256xf32>
    %reduce_sum3A_153 = vector.multi_reduction <add>, %slice3A_151, %reduce_sum3A_152 [0] : vector<128x256xf32> to vector<256xf32>
    %slice3A_154 = vector.extract_strided_slice %select_n3A {offsets = [1408, 0], sizes = [128, 256], strides = [1, 1]} : vector<2048x256xf32> to vector<128x256xf32>
    %reduce_sum3A_155 = arith.constant dense<0.000000e+00> : vector<256xf32>
    %reduce_sum3A_156 = vector.multi_reduction <add>, %slice3A_154, %reduce_sum3A_155 [0] : vector<128x256xf32> to vector<256xf32>
    %slice3A_157 = vector.extract_strided_slice %select_n3A {offsets = [1536, 0], sizes = [128, 256], strides = [1, 1]} : vector<2048x256xf32> to vector<128x256xf32>
    %reduce_sum3A_158 = arith.constant dense<0.000000e+00> : vector<256xf32>
    %reduce_sum3A_159 = vector.multi_reduction <add>, %slice3A_157, %reduce_sum3A_158 [0] : vector<128x256xf32> to vector<256xf32>
    %slice3A_160 = vector.extract_strided_slice %select_n3A {offsets = [1664, 0], sizes = [128, 256], strides = [1, 1]} : vector<2048x256xf32> to vector<128x256xf32>
    %reduce_sum3A_161 = arith.constant dense<0.000000e+00> : vector<256xf32>
    %reduce_sum3A_162 = vector.multi_reduction <add>, %slice3A_160, %reduce_sum3A_161 [0] : vector<128x256xf32> to vector<256xf32>
    %slice3A_163 = vector.extract_strided_slice %select_n3A {offsets = [1792, 0], sizes = [128, 256], strides = [1, 1]} : vector<2048x256xf32> to vector<128x256xf32>
    %reduce_sum3A_164 = arith.constant dense<0.000000e+00> : vector<256xf32>
    %reduce_sum3A_165 = vector.multi_reduction <add>, %slice3A_163, %reduce_sum3A_164 [0] : vector<128x256xf32> to vector<256xf32>
    %slice3A_166 = vector.extract_strided_slice %select_n3A {offsets = [1920, 0], sizes = [128, 256], strides = [1, 1]} : vector<2048x256xf32> to vector<128x256xf32>
    %reduce_sum3A_167 = arith.constant dense<0.000000e+00> : vector<256xf32>
    %reduce_sum3A_168 = vector.multi_reduction <add>, %slice3A_166, %reduce_sum3A_167 [0] : vector<128x256xf32> to vector<256xf32>
    %add3A_169 = arith.addf %reduce_sum3A_123, %reduce_sum3A_126 : vector<256xf32>
    %add3A_170 = arith.addf %reduce_sum3A_129, %reduce_sum3A_132 : vector<256xf32>
    %add3A_171 = arith.addf %reduce_sum3A_135, %reduce_sum3A_138 : vector<256xf32>
    %add3A_172 = arith.addf %reduce_sum3A_141, %reduce_sum3A_144 : vector<256xf32>
    %add3A_173 = arith.addf %reduce_sum3A_147, %reduce_sum3A_150 : vector<256xf32>
    %add3A_174 = arith.addf %reduce_sum3A_153, %reduce_sum3A_156 : vector<256xf32>
    %add3A_175 = arith.addf %reduce_sum3A_159, %reduce_sum3A_162 : vector<256xf32>
    %add3A_176 = arith.addf %reduce_sum3A_165, %reduce_sum3A_168 : vector<256xf32>
    %add3A_177 = arith.addf %add3A_169, %add3A_170 : vector<256xf32>
    %add3A_178 = arith.addf %add3A_171, %add3A_172 : vector<256xf32>
    %add3A_179 = arith.addf %add3A_173, %add3A_174 : vector<256xf32>
    %add3A_180 = arith.addf %add3A_175, %add3A_176 : vector<256xf32>
    %add3A_181 = arith.addf %add3A_177, %add3A_178 : vector<256xf32>
    %add3A_182 = arith.addf %add3A_179, %add3A_180 : vector<256xf32>
    %add3A_183 = arith.addf %add3A_181, %add3A_182 : vector<256xf32>
    %eq3A = arith.constant 0 : i32
    %eq3A_184 = arith.cmpi eq, %arg0, %eq3A : i32
    %get3A_185 = arith.constant 0 : index
    %get3A_186 = arith.constant 0 : index
    %get3A_187 = vector.load %arg21[%get3A_185, %get3A_186] : memref<1x256xf32, #tpu.memory_space<vmem>>, vector<1x256xf32>
    %get3A_188 = vector.shape_cast %get3A_187 : vector<1x256xf32> to vector<256xf32>
    %add3A_189 = arith.addf %get3A_188, %add3A_183 : vector<256xf32>
    %select_n3A_190 = arith.select %eq3A_184, %add3A_183, %add3A_189 : vector<256xf32>
    %swap3A_191 = arith.constant 0 : index
    %swap3A_192 = arith.constant 0 : index
    %swap3A_193 = vector.load %arg21[%swap3A_191, %swap3A_192] : memref<1x256xf32, #tpu.memory_space<vmem>>, vector<1x256xf32>
    %swap3A_194 = vector.shape_cast %swap3A_193 : vector<1x256xf32> to vector<256xf32>
    %swap3A_195 = vector.shape_cast %select_n3A_190 : vector<256xf32> to vector<1x256xf32>
    tpu.vector_store %arg21[%swap3A_191, %swap3A_192], %swap3A_195 {strides = array<i32>} : memref<1x256xf32, #tpu.memory_space<vmem>>, vector<1x256xf32>,
    %eq3A_196 = arith.constant 4 : i32
    %eq3A_197 = arith.cmpi eq, %arg0, %eq3A_196 : i32
    %convert_element_type3A = arith.extui %eq3A_197 : i1 to i32
    %cond3A = arith.constant 0 : i32
    %cond3A_198 = arith.cmpi ne, %convert_element_type3A, %cond3A : i32
    scf.if %cond3A_198 {
      %get3A_199 = arith.constant 0 : index
      %get3A_200 = arith.constant 0 : index
      %get3A_201 = vector.load %arg21[%get3A_199, %get3A_200] : memref<1x256xf32, #tpu.memory_space<vmem>>, vector<1x256xf32>
      %get3A_202 = vector.shape_cast %get3A_201 : vector<1x256xf32> to vector<256xf32>
      %broadcast_in_dim3A_203 = vector.shape_cast %get3A_202 : vector<256xf32> to vector<1x256xf32>
      %get3A_204 = arith.constant 0 : index
      %get3A_205 = arith.constant 0 : index
      %get3A_206 = vector.load %arg12[%get3A_204, %get3A_205] : memref<256x128xf32, #tpu.memory_space<vmem>>, vector<256x128xf32>
      %dot_general3A_207 = arith.constant dense<0.000000e+00> : vector<1x128xf32>
      %dot_general3A_208 = tpu.matmul %broadcast_in_dim3A_203, %get3A_206, %dot_general3A_207 {dimension_numbers = #tpu.dot_dimension_numbers<[1], [0], [0], [1], [0, 0, 1, 1], [], []>, precision = #tpu.contract_precision<fp32>, transpose_lhs_hint = false} : vector<1x256xf32>, vector<256x128xf32>, vector<1x128xf32> -> vector<1x128xf32>
      %get3A_209 = arith.constant 0 : index
      %get3A_210 = vector.load %arg13[%get3A_209] : memref<128xf32, #tpu.memory_space<vmem>>, vector<128xf32>
      %broadcast_in_dim3A_211 = vector.shape_cast %get3A_210 : vector<128xf32> to vector<1x128xf32>
      %add3A_212 = arith.addf %dot_general3A_208, %broadcast_in_dim3A_211 : vector<1x128xf32>
      %max3A_213 = arith.constant 0.000000e+00 : f32
      %max3A_214 = vector.broadcast %max3A_213 : f32 to vector<1x128xf32>
      %max3A_215 = arith.maximumf %add3A_212, %max3A_214 : vector<1x128xf32>
      %get3A_216 = arith.constant 0 : index
      %get3A_217 = arith.constant 0 : index
      %get3A_218 = vector.load %arg14[%get3A_216, %get3A_217] : memref<128x64xf32, #tpu.memory_space<vmem>>, vector<128x64xf32>
      %dot_general3A_219 = arith.constant dense<0.000000e+00> : vector<1x64xf32>
      %dot_general3A_220 = tpu.matmul %max3A_215, %get3A_218, %dot_general3A_219 {dimension_numbers = #tpu.dot_dimension_numbers<[1], [0], [0], [1], [0, 0, 1, 1], [], []>, precision = #tpu.contract_precision<fp32>, transpose_lhs_hint = false} : vector<1x128xf32>, vector<128x64xf32>, vector<1x64xf32> -> vector<1x64xf32>
      %get3A_221 = arith.constant 0 : index
      %get3A_222 = vector.load %arg15[%get3A_221] : memref<64xf32, #tpu.memory_space<vmem>>, vector<64xf32>
      %broadcast_in_dim3A_223 = vector.shape_cast %get3A_222 : vector<64xf32> to vector<1x64xf32>
      %add3A_224 = arith.addf %dot_general3A_220, %broadcast_in_dim3A_223 : vector<1x64xf32>
      %max3A_225 = arith.constant 0.000000e+00 : f32
      %max3A_226 = vector.broadcast %max3A_225 : f32 to vector<1x64xf32>
      %max3A_227 = arith.maximumf %add3A_224, %max3A_226 : vector<1x64xf32>
      %get3A_228 = arith.constant 0 : index
      %get3A_229 = arith.constant 0 : index
      %get3A_230 = vector.load %arg16[%get3A_228, %get3A_229] : memref<64x128xf32, #tpu.memory_space<vmem>>, vector<64x128xf32>
      %dot_general3A_231 = arith.constant dense<0.000000e+00> : vector<1x128xf32>
      %dot_general3A_232 = tpu.matmul %max3A_227, %get3A_230, %dot_general3A_231 {dimension_numbers = #tpu.dot_dimension_numbers<[1], [0], [0], [1], [0, 0, 1, 1], [], []>, precision = #tpu.contract_precision<fp32>, transpose_lhs_hint = false} : vector<1x64xf32>, vector<64x128xf32>, vector<1x128xf32> -> vector<1x128xf32>
      %slice3A_233 = vector.extract_strided_slice %dot_general3A_232 {offsets = [0, 0], sizes = [1, 1], strides = [1, 1]} : vector<1x128xf32> to vector<1x1xf32>
      %get3A_234 = arith.constant 0 : index
      %get3A_235 = arith.constant 0 : index
      %get3A_236 = vector.load %arg17[%get3A_234, %get3A_235] : memref<1x1xf32, #tpu.memory_space<vmem>>, vector<1x1xf32>
      %add3A_237 = arith.addf %slice3A_233, %get3A_236 : vector<1x1xf32>
      %swap3A_238 = arith.constant 0 : index
      %swap3A_239 = arith.constant 0 : index
      %swap3A_240 = vector.load %arg20[%swap3A_238, %swap3A_239] : memref<1x1xf32, #tpu.memory_space<vmem>>, vector<1x1xf32>
      tpu.vector_store %arg20[%swap3A_238, %swap3A_239], %add3A_237 {strides = array<i32>} : memref<1x1xf32, #tpu.memory_space<vmem>>, vector<1x1xf32>,
    } else {
    }
    return
  }
  func.func @transform_0(%arg0: i32) -> (i32, i32, i32) {
    %c0_i32 = arith.constant 0 : i32
    %c0_i32_0 = arith.constant 0 : i32
    %c0_i32_1 = arith.constant 0 : i32
    return %c0_i32, %arg0, %c0_i32_0 : i32, i32, i32
  }
  func.func @transform_1(%arg0: i32) -> (i32, i32, i32) {
    %c0_i32 = arith.constant 0 : i32
    %c0_i32_0 = arith.constant 0 : i32
    %c0_i32_1 = arith.constant 0 : i32
    return %arg0, %c0_i32, %c0_i32_0 : i32, i32, i32
  }
  func.func @transform_2(%arg0: i32) -> (i32, i32) {
    %c0_i32 = arith.constant 0 : i32
    %c0_i32_0 = arith.constant 0 : i32
    return %arg0, %c0_i32 : i32, i32
  }
  func.func @transform_3(%arg0: i32) -> i32 {
    %c0_i32 = arith.constant 0 : i32
    %c0_i32_0 = arith.constant 0 : i32
    return %c0_i32 : i32
  }
  func.func @transform_4(%arg0: i32) -> i32 {
    %c0_i32 = arith.constant 0 : i32
    %c0_i32_0 = arith.constant 0 : i32
    return %c0_i32 : i32
  }
  func.func @transform_5(%arg0: i32) -> (i32, i32) {
    %c0_i32 = arith.constant 0 : i32
    %c0_i32_0 = arith.constant 0 : i32
    %c0_i32_1 = arith.constant 0 : i32
    return %c0_i32, %c0_i32_0 : i32, i32
  }
  func.func @transform_6(%arg0: i32) -> i32 {
    %c0_i32 = arith.constant 0 : i32
    %c0_i32_0 = arith.constant 0 : i32
    return %c0_i32 : i32
  }
  func.func @transform_7(%arg0: i32) -> (i32, i32) {
    %c0_i32 = arith.constant 0 : i32
    %c0_i32_0 = arith.constant 0 : i32
    %c0_i32_1 = arith.constant 0 : i32
    return %c0_i32, %c0_i32_0 : i32, i32
  }
  func.func @transform_8(%arg0: i32) -> i32 {
    %c0_i32 = arith.constant 0 : i32
    %c0_i32_0 = arith.constant 0 : i32
    return %c0_i32 : i32
  }
  func.func @transform_9(%arg0: i32) -> (i32, i32) {
    %c0_i32 = arith.constant 0 : i32
    %c0_i32_0 = arith.constant 0 : i32
    %c0_i32_1 = arith.constant 0 : i32
    return %c0_i32, %c0_i32_0 : i32, i32
  }
  func.func @transform_10(%arg0: i32) -> i32 {
    %c0_i32 = arith.constant 0 : i32
    %c0_i32_0 = arith.constant 0 : i32
    return %c0_i32 : i32
  }
  func.func @transform_11(%arg0: i32) -> (i32, i32) {
    %c0_i32 = arith.constant 0 : i32
    %c0_i32_0 = arith.constant 0 : i32
    %c0_i32_1 = arith.constant 0 : i32
    return %c0_i32, %c0_i32_0 : i32, i32
  }
  func.func @transform_12(%arg0: i32) -> i32 {
    %c0_i32 = arith.constant 0 : i32
    %c0_i32_0 = arith.constant 0 : i32
    return %c0_i32 : i32
  }
  func.func @transform_13(%arg0: i32) -> (i32, i32) {
    %c0_i32 = arith.constant 0 : i32
    %c0_i32_0 = arith.constant 0 : i32
    %c0_i32_1 = arith.constant 0 : i32
    return %c0_i32, %c0_i32_0 : i32, i32
  }
  func.func @transform_14(%arg0: i32) -> i32 {
    %c0_i32 = arith.constant 0 : i32
    %c0_i32_0 = arith.constant 0 : i32
    return %c0_i32 : i32
  }
  func.func @transform_15(%arg0: i32) -> (i32, i32) {
    %c0_i32 = arith.constant 0 : i32
    %c0_i32_0 = arith.constant 0 : i32
    %c0_i32_1 = arith.constant 0 : i32
    return %c0_i32, %c0_i32_0 : i32, i32
  }
  func.func @transform_16(%arg0: i32) -> (i32, i32) {
    %c0_i32 = arith.constant 0 : i32
    %c0_i32_0 = arith.constant 0 : i32
    %c0_i32_1 = arith.constant 0 : i32
    return %c0_i32, %c0_i32_0 : i32, i32
  }
  func.func @transform_17(%arg0: i32) -> (i32, i32, i32) {
    %c0_i32 = arith.constant 0 : i32
    %c0_i32_0 = arith.constant 0 : i32
    %c0_i32_1 = arith.constant 0 : i32
    return %arg0, %c0_i32, %c0_i32_0 : i32, i32, i32
  }
  func.func @transform_18(%arg0: i32) -> (i32, i32, i32) {
    %c0_i32 = arith.constant 0 : i32
    %c0_i32_0 = arith.constant 0 : i32
    %c0_i32_1 = arith.constant 0 : i32
    return %arg0, %c0_i32, %c0_i32_0 : i32, i32, i32
  }
  func.func @transform_19(%arg0: i32) -> (i32, i32) {
    %c0_i32 = arith.constant 0 : i32
    %c0_i32_0 = arith.constant 0 : i32
    %c0_i32_1 = arith.constant 0 : i32
    return %c0_i32, %c0_i32_0 : i32, i32
  }
}

</mosaic_0001>

<sc_bundles>
// kernel: kernel.5.cloned.1.call-start
scs
__scs_entry_jumppad:
0x0: {  	(pc) =	sbr.rel $0x88, $3  }
0x1: {  	(tag) =	ssettag $0x0;
	lr =	simm.s32 $0x1  }
0x2: {  	[smem:$0x3F8F] =	sst lr;
	_ =	strace $0xD0000000  }
0x3: {  	_ = 	snop  }
0x4: {  	_ = 	snop  }
0x5: {  	_ = 	snop  }
0x6: {  	_ = 	snop  }
0x7: {  	_ = 	snop  }
__scs_overlays_trampoline_lowered:
0x8: {  	[smem:$0x3F9E] =	sst s0  }
0x9: {  	[smem:$0x3F9F] =	sst s1  }
0xa: {  	[smem:$0x3FA0] =	sst s2  }
0xb: {  	[smem:$0x3FA1] =	sst s3  }
0xc: {  	[smem:$0x3FA2] =	sst s4  }
0xd: {  	[smem:$0x3FA3] =	sst s5  }
0xe: {  	[smem:$0x3FA4] =	sst s6  }
0xf: {  	[smem:$0x3FA5] =	sst s7  }
0x10: {  	[smem:$0x3FA6] =	sst s8  }
0x11: {  	[smem:$0x3FA7] =	sst s9;
	s0 =	simm.s32 @!p0 $0x0  }
0x12: {  	s1 =	sld [smem:$0x3F8D];
	s0 =	simm.s32 @p0 $0x1  }
0x13: {  	[smem:$0x3FA8] =	sst s0;
	s0 =	simm.s32 @!p1 $0x0  }
0x14: {  	s2 =	sld [smem:$0x3F8C];
	s0 =	simm.s32 @p1 $0x1  }
0x15: {  	[smem:$0x3FA9] =	sst s0;
	s0 =	simm.s32 @!p2 $0x0  }
0x16: {  	s3 =	sld [smem:$0x3FDB];
	s0 =	simm.s32 @p2 $0x1  }
0x17: {  	s4 =	simm.s32 $0x1BF5;
	[smem:$0x3FAB] =	sst s0  }
0x18: {  	s0 =	sld [smem:$0x3F8E];
	_ =	swait.ge [sflag:s4], $0x0  }
0x19: {  	s7 =	sld [smem:$0x3F8F]  }
0x1a: {  	s8 =	sadd.s32 $0xFFFFE003, lr  }
0x1b: {  	s9 =	sadd.s32 $0xFFFFFEF7, lr;
	s5 =	simm.s32 $0xFFFFFFFF;
	p2 =	slt.u32 s8, $0xFFFFF086  }
0x1c: {  	p1 =	slt.u32 s9, $0xF7A;
	s5 =	simm.s32 @!p2 $0x0  }
0x1d: {  	s5 =	simm.s32 @p1 $0x1;
	p0 =	seq.s32 s7, s2  }
0x1e: {  	s7 =	smul.u32 @!p0 $0xF7A, s2;
	p2 =	seq.s32 @!p0 s5, $0x0  }
0x1f: {  	s9 =	smul.u32 $0xF7A, s1;
	s8 =	simm.s32 @!p0 $0x1BF5;
	p2 =	por !p2, p0  }
0x20: {  	[sflag:s8] =	ssyncset.s32 @!p0 $0xFFFFF086;
	s6 =	sadd.s32 @!p0 s3, s7;
	s7 =	simm.s32 @!p0 $0x108  }
0x21: {  	s3 =	sadd.s32 s3, s9;
	s6 =	sadd.s32 @!p0 $0x88, s6;
	s7 =	simm.s32 @p2 $0x1082  }
0x22: {  	[simem:s7], [sflag:s8] =	dma.local @!p0 [hbm:s6], $0xF7A  }
0x23: {  	s9 =	sor.u32 $0xD0000000, s2;
	s6 =	simm.s32 $0x108;
	_ =	swait.ge @!p0 [sflag:s8], $0x0  }
0x24: {  	s3 =	sadd.s32 $0x88, s3;
	s6 =	simm.s32 @!p1 $0x1082;
	[sflag:s4] =	ssyncset.s32 $0xFFFFF086  }
0x25: {  	[simem:s6], [sflag:s4] =	dma.local [hbm:s3], $0xF7A  }
0x26: {  	[smem:$0x3F8F] =	sst s1;
	(tag) =	ssettag s2;
	_ =	strace s9  }
0x27: {  	s1 =	sld [smem:$0x3F9F]  }
0x28: {  	s2 =	sld [smem:$0x3FA0]  }
0x29: {  	s4 =	sld [smem:$0x3FA2]  }
0x2a: {  	p0 =	seq.s32 s5, $0x0;
	s5 =	sld [smem:$0x3FA3]  }
0x2b: {  	s6 =	sld [smem:$0x3FA4]  }
0x2c: {  	s7 =	sld [smem:$0x3FA5]  }
0x2d: {  	s3 =	simm.s32 $0x108;
	s8 =	sld [smem:$0x3FA6]  }
0x2e: {  	s3 =	simm.s32 @!p0 $0x1082;
	s9 =	sld [smem:$0x3FA7]  }
0x2f: {  	lr =	sadd.s32 s0, s3;
	s0 =	sld [smem:$0x3F9E]  }
0x30: {  	s3 =	sld [smem:$0x3FA1]  }
0x31: {  	[smem:$0x3FAA] =	sst s10  }
0x32: {  	s10 =	sld [smem:$0x3FA8];
	_ =	sdelay $0x3  }
0x33: {  	p0 =	seq.s32 s10, $0x1;
	s10 =	sld [smem:$0x3FAA];
	_ =	sdelay $0x3  }
0x34: {  	[smem:$0x3FAA] =	sst s10  }
0x35: {  	s10 =	sld [smem:$0x3FA9];
	_ =	sdelay $0x3  }
0x36: {  	p1 =	seq.s32 s10, $0x1;
	s10 =	sld [smem:$0x3FAA];
	_ =	sdelay $0x3  }
0x37: {  	[smem:$0x3FAA] =	sst s10  }
0x38: {  	s10 =	sld [smem:$0x3FAB]  }
0x39: {  	_ = 	snop;
	(pc) =	sbr.ind lr, $3  }
0x3a: {  	_ = 	snop  }
0x3b: {  	_ = 	snop  }
0x3c: {  	p2 =	seq.s32 s10, $0x1;
	s10 =	sld [smem:$0x3FAA]  }
0x3d: {  	_ =	shalt  }
0x3e: {  	_ =	shalt  }
0x3f: {  	_ =	shalt  }
0x40: {  	_ =	shalt  }
0x41: {  	_ =	shalt  }
0x42: {  	_ =	shalt  }
0x43: {  	_ =	shalt  }
0x44: {  	_ =	shalt  }
0x45: {  	_ =	shalt  }
0x46: {  	_ =	shalt  }
0x47: {  	_ =	shalt  }
0x48: {  	_ =	shalt  }
0x49: {  	_ =	shalt  }
0x4a: {  	_ =	shalt  }
0x4b: {  	_ =	shalt  }
0x4c: {  	_ =	shalt  }
0x4d: {  	_ =	shalt  }
0x4e: {  	_ =	shalt  }
0x4f: {  	_ =	shalt  }
0x50: {  	_ =	shalt  }
0x51: {  	_ =	shalt  }
0x52: {  	_ =	shalt  }
0x53: {  	_ =	shalt  }
0x54: {  	_ =	shalt  }
0x55: {  	_ =	shalt  }
0x56: {  	_ =	shalt  }
0x57: {  	_ =	shalt  }
0x58: {  	_ =	shalt  }
0x59: {  	_ =	shalt  }
0x5a: {  	_ =	shalt  }
0x5b: {  	_ =	shalt  }
0x5c: {  	_ =	shalt  }
0x5d: {  	_ =	shalt  }
0x5e: {  	_ =	shalt  }
0x5f: {  	_ =	shalt  }
0x60: {  	_ =	shalt  }
0x61: {  	_ =	shalt  }
0x62: {  	_ =	shalt  }
0x63: {  	_ =	shalt  }
0x64: {  	_ =	shalt  }
0x65: {  	_ =	shalt  }
0x66: {  	_ =	shalt  }
0x67: {  	_ =	shalt  }
0x68: {  	_ =	shalt  }
0x69: {  	_ =	shalt  }
0x6a: {  	_ =	shalt  }
0x6b: {  	_ =	shalt  }
0x6c: {  	_ =	shalt  }
0x6d: {  	_ =	shalt  }
0x6e: {  	_ =	shalt  }
0x6f: {  	_ =	shalt  }
0x70: {  	_ =	shalt  }
0x71: {  	_ =	shalt  }
0x72: {  	_ =	shalt  }
0x73: {  	_ =	shalt  }
0x74: {  	_ =	shalt  }
0x75: {  	_ =	shalt  }
0x76: {  	_ =	shalt  }
0x77: {  	_ =	shalt  }
0x78: {  	_ =	shalt  }
0x79: {  	_ =	shalt  }
0x7a: {  	_ =	shalt  }
0x7b: {  	_ =	shalt  }
0x7c: {  	_ =	shalt  }
0x7d: {  	_ =	shalt  }
0x7e: {  	_ =	shalt  }
0x7f: {  	_ =	shalt  }
0x80: {  	_ =	shalt  }
0x81: {  	_ =	shalt  }
0x82: {  	_ =	shalt  }
0x83: {  	_ =	shalt  }
0x84: {  	_ =	shalt  }
0x85: {  	_ =	shalt  }
0x86: {  	_ =	shalt  }
0x87: {  	_ =	shalt  }
.Lfunc_end0:
.L_simem_size_0:
called_computation_lowered:
.L_overlay_start_0:
0x88: {  	s2 =	sld [smem:$0x3FD9]  }
0x89: {  	s3 =	sld [smem:$0x3FFE];
	_ =	sdelay $0x1  }
0x8a: {  	s1 =	srdreg.scid  }
0x8b: {  	s0 =	sand.u32 $0x1, s1  }
0x8c: {  	s16 =	sshll.u32 s0, $0xA;
	s2 =	sadd.s32 s3, s2  }
0x8d: {  	s2 =	sadd.s32 s2, s16  }
0x8e: {  	[smem:$0x3FB6] =	sst s2  }
0x8f: {  	_ = 	snop  }
0x90: {  	(tm) =	ssettm $0x1  }
0x91: {  	s17 =	sld [smem:$0x3FFB];
	_ =	sdelay $0x3  }
0x92: {  	_ =	strace s17  }
0x93: {  	s2 =	sld [smem:$0x3FFC];
	_ =	sdelay $0x3  }
0x94: {  	_ =	strace s2  }
0x95: {  	s2 =	sld [smem:$0x3FFD];
	_ =	sdelay $0x3  }
0x96: {  	_ =	strace s2  }
0x97: {  	_ =	strace $0x8FFFFFFF  }
0x98: {  	s18 =	sld [smem:$0x3FDB];
	_ =	sdelay $0x1  }
0x99: {  	s19 =	simm.s32 $_scs_section_size  }
0x9a: {  	s4 =	simm.s32 $_size__tile_overlayer_lowered;
	s5 =	simm.s32 $_tile_overlayer_lowered  }
0x9b: {  	s22 =	simm.s32 $0x1BFF;
	s21 =	sshll.u32 s5, $0x1;
	s2 =	sadd.s32 s19, s18  }
0x9c: {  	s6 =	simm.s32 $0x0;
	s20 =	sshll.u32 s4, $0x1;
	s4 =	sadd.s32 s21, s2  }
0x9d: {  	[timem:s6], [sflag:s22] =	dma.local [hbm:s4], s20  }
0x9e: {  	_ =	swait.ge [sflag:s22], s20  }
0x9f: {  	s3 =	ssub.s32 $0x0, s20;
	[sflag:s22] =	ssyncset.done $0x0  }
0xa0: {  	[sflag:s22] =	ssyncadd.s32 s3;
	_ =	sdelay $0x1  }
0xa1: {  	s23 =	simm.s32 $0x1B8B  }
0xa2: {  	_ =	swait.ge [sflag:s23], $0x1  }
0xa3: {  	[sflag:s23] =	ssyncset.done $0x0  }
0xa4: {  	s25 =	simm.s32 $0x1B8E;
	s24 =	sld [smem:$0x3FFE];
	[sflag:s23] =	ssyncadd.s32 $0xFFFFFFFF  }
0xa5: {  	s26 =	simm.s32 $execute0_lowered;
	[smem:$0x3FD2] =	sst s25  }
0xa6: {  	s4 =	sshll.u32 s26, $0x1;
	_ =	strace $0x80000046;
	[dreg:$0x1] =	wrdreg $0xFFFFFFFF  }
0xa7: {  	s28 =	simm.s32 $_size_execute0_lowered;
	s2 =	sadd.s32 s2, s4;
	[dreg:$0x0] =	wrdreg $0x0  }
0xa8: {  	s4 =	sshll.u32 s28, $0x1;
	[dreg:$0x2] =	wrdreg s2  }
0xa9: {  	[dreg:$0x3] =	wrdreg s4  }
0xaa: {  	[dreg:$0x4] =	wrdreg $0xC0  }
0xab: {  	_ =	task [dreg:s6], $0x5FFFF  }
0xac: {  	[dreg:$0x1] =	wrdreg $0xFFFFFFFF  }
0xad: {  	[dreg:$0x0] =	wrdreg $0x60  }
0xae: {  	[dreg:$0x2] =	wrdreg s24  }
0xaf: {  	[dreg:$0x3] =	wrdreg $0xA8000  }
0xb0: {  	[dreg:$0x4] =	wrdreg $0x9  }
0xb1: {  	_ =	task.clear_ibuf [dreg:s6], $0x5FFFF;
	_ =	strace $0x90000046  }
0xb2: {  	s29 =	simm.s32 $0x9;
	_ =	strace $0x80000048  }
0xb3: {  	_ =	swait.ge [sflag:s29], $0x1  }
0xb4: {  	[sflag:s29] =	ssyncadd.s32 $0xFFFFFFFF  }
0xb5: {  	_ =	strace $0x90000048  }
0xb6: {  	_ =	sfence  }
0xb7: {  	s30 =	sld [smem:$0x0];
	_ =	sdelay $0x2  }
0xb8: {  	s31 =	sshll.u32 s1, $0xD;
	s1 =	sshrl.u32 s1, $0x2  }
0xb9: {  	s3 =	sand.u32 $0x4000, s31;
	s1 =	sadd.s32 s1, s30  }
0xba: {  	s0 =	sor.u32 s3, s0;
	s1 =	sshll.u32 s1, $0x11  }
0xbb: {  	s0 =	sor.u32 s1, s0  }
0xbc: {  	s0 =	sadd.s32 $0x8F2B, s0  }
0xbd: {  	[sflag:s0] =	ssyncadd.remote.s32 $0x1  }
0xbe: {  	_ =	sfence.sel $0xFFFF  }
0xbf: {  	[dreg:$0x0] =	wrdreg $0xFFFFFFFF;
	(pc) =	sbr.abs _section_cstart, $3  }
0xc0: {  	[dreg:$0x1] =	wrdreg $0xFFFFFFFF  }
0xc1: {  	_ =	task.clear_ibuf [dreg:s6], $0x2FFFF;
	_ =	strace $0x9FFFFFFF  }
0xc2: {  	(tm) =	ssettm $0x7FFFFFFF  }
0xc3: {  	_ =	shalt  }
tec
execute0_lowered:
.L_overlay_start_1:
0x0: {  	(tag) =	ssettag $0x1  }
0x1: {  	s0 =	rddreg [dreg:$0x0]  }
0x2: {  	s1 =	rddreg [dreg:$0x1];
	s20 =	stileid.u32  }
0x3: {  	s3 =	simm.s32 $0x0;
	s2 =	srdreg.scid;
	s5 =	smul.u32 $0x270, s20  }
0x4: {  	[smem:$0x7FF] =	sst s3;
	s4 =	sadd.s32 $0x1B000, s0;
	s7 =	smul.u32 $0x4E000, s20  }
0x5: {  	s6 =	sadd.s32 $0x7000, s0;
	s2 =	sand.u32 $0x1, s2;
	s24 =	smul.u32 $0x500, s20  }
0x6: {  	s9 =	sadd.s32 $0x2000, s0;
	s0 =	sadd.s32 $0xBB000, s0;
	s10 =	smul.u32 $0x2800, s2  }
0x7: {  	p0 =	sne.s32 s20, $0xF;
	s8 =	ssub.s32 $0x2, s2;
	s12 =	smul.u32 $0x140000, s2  }
0x8: {  	_ =	strace $0x80000047;
	s18 =	smul.u32 $0x500, s2;
	s11 =	sshrl.u32 s8, $0x1  }
0x9: {  	s14 =	smul.u32 $0x2710, s2;
	s7 =	sshrl.u32 s7, $0x2;
	s16 =	ssub.s32 s8, s11  }
0xa: {  	s17 =	sadd.s32 s5, s10;
	s10 =	smul.u32 $0x50, s20;
	s21 =	sadd.s32 s7, s1  }
0xb: {  	s22 =	sshrl.u32 s12, $0x3;
	s7 =	sshll.u32 s20, $0x6;
	s11 =	sadd.s32 s9, s24  }
0xc: {  	s14 =	sadd.s32 s5, s14;
	s20 =	simm.s32 $0x0;
	s8 =	sshll.u32 s17, $0x4  }
0xd: {  	s12 =	sadd.s32 s4, s22;
	s14 =	sshll.u32 s14, $0x4;
	[dreg:$0x3] =	wrdreg s21  }
0xe: {  	s19 =	sadd.s32 s4, s8;
	s13 =	sadd.s32 s10, s18;
	s8 =	sor.u32 $0x1C03, s7  }
0xf: {  	s12 =	sadd.s32 $0x27000, s12;
	s17 =	sadd.s32 $0x28, s10;
	[dreg:$0x4] =	wrdreg s19  }
0x10: {  	s14 =	sadd.s32 s0, s14;
	[dreg:$0x5] =	wrdreg s12;
	s23 =	sshll.u32 s13, $0x4  }
0x11: {  	s25 =	sadd.s32 s18, s17;
	s18 =	sor.u32 $0x2, s2;
	s2 =	smul.u32 $0x138800, s2  }
0x12: {  	s29 =	sshll.u32 s17, $0x4;
	s31 =	sadd.s32 $0x1E00, s14;
	s28 =	smul.u32 $0x2800, s18  }
0x13: {  	s12 =	sadd.s32 s6, s23;
	s26 =	sshll.u32 s25, $0x4;
	s19 =	smul.u32 $0x500, s18  }
0x14: {  	s13 =	sadd.s32 s9, s29;
	s23 =	sadd.s32 $0x5000, s21;
	[dreg:$0x6] =	wrdreg s12  }
0x15: {  	s12 =	sadd.s32 s6, s26;
	s2 =	sshrl.u32 s2, $0x3;
	s23 =	sshrl.u32 s23, $0x3  }
0x16: {  	[dreg:$0x7] =	wrdreg s12;
	s15 =	sadd.s32 s5, s28;
	s28 =	smul.u32 $0x2710, s18  }
0x17: {  	s25 =	sadd.s32 s10, s19;
	s26 =	sadd.s32 s17, s19;
	s10 =	smul.u32 $0x138800, s18  }
0x18: {  	s17 =	sadd.s32 $0xA000, s21;
	s19 =	smul.u32 $0x140000, s18;
	s2 =	sadd.s32 s0, s2  }
0x19: {  	s12 =	simm.s32 $0x2800;
	s18 =	simm.s32 $0x2700;
	s22 =	sshll.u32 s15, $0x4  }
0x1a: {  	s9 =	sshll.u32 s25, $0x4;
	s29 =	sshll.u32 s26, $0x4;
	s2 =	sadd.s32 $0x27000, s2  }
0x1b: {  	s25 =	smax.u32 s16, $0x1;
	s26 =	sadd.s32 $0x138000, s1;
	[dreg:$0xb] =	wrdreg s2  }
0x1c: {  	s16 =	simm.s32 $0x6800;
	s15 =	sadd.s32 s4, s22;
	[dreg:$0xe] =	wrdreg s25  }
0x1d: {  	s9 =	sadd.s32 s6, s9;
	s6 =	sadd.s32 s6, s29;
	[dreg:$0xf] =	wrdreg s26  }
0x1e: {  	s5 =	sadd.s32 s5, s28;
	s22 =	sadd.s32 $0xF000, s21;
	[dreg:$0x8] =	wrdreg s9  }
0x1f: {  	s28 =	sadd.s32 $0xA00, s14;
	s29 =	sadd.s32 $0x1400, s14;
	[dreg:$0x9] =	wrdreg s6  }
0x20: {  	s5 =	sshll.u32 s5, $0x4;
	s6 =	sshrl.u32 s10, $0x3;
	[dreg:$0x10] =	wrdreg s28  }
0x21: {  	s10 =	sshrl.u32 s19, $0x3;
	s25 =	sshrl.u32 s22, $0x3;
	[dreg:$0x11] =	wrdreg s29  }
0x22: {  	s30 =	sadd.s32 $0xA00, s15;
	s9 =	simm.s32 $0x1400;
	s19 =	simm.s32 $0x2780  }
0x23: {  	s5 =	sadd.s32 s0, s5;
	s0 =	sadd.s32 s0, s6;
	s24 =	sadd.s32 s4, s10  }
0x24: {  	s6 =	simm.s32 $0x3;
	s10 =	simm.s32 $0x80;
	[dreg:$0xa] =	wrdreg s5  }
0x25: {  	s2 =	sadd.s32 $0x27000, s24;
	s0 =	sadd.s32 $0x27000, s0;
	s24 =	sshrl.u32 s17, $0x3  }
0x26: {  	s17 =	simm.s32 $0x1;
	s5 =	simm.s32 $0x2;
	[dreg:$0xc] =	wrdreg s2  }
0x27: {  	[dreg:$0xd] =	wrdreg s0;
	s0 =	sadd.s32 $0x1400, s15;
	s2 =	sadd.s32 $0x1E00, s15  }
.LBB2_1:
0x28: {  	s21 =	rddreg [dreg:$0x3]  }
0x29: {  	s22 =	rddreg [dreg:$0x4];
	s21 =	sshrl.u32 s21, $0x3  }
0x2a: {  	[spmem:s21], [sflag:s8] =	dma.local [hbm:s22], $0x2700  }
0x2b: {  	_ =	swait.ge [sflag:s6], $0x2700  }
0x2c: {  	[sflag:s6] =	ssyncset.done $0x0;
	s22 =	rddreg [dreg:$0xf]  }
0x2d: {  	s26 =	rddreg [dreg:$0x5];
	[sflag:s6] =	ssyncadd.s32 $0xFFFFD900;
	s22 =	sshrl.u32 @!p0 s22, $0x3  }
0x2e: {  	[spmem:s22], [sflag:s8] =	dma.local @!p0 [hbm:s26], $0x100  }
0x2f: {  	s26 =	simm.s32 @!p0 $0x3  }
0x30: {  	_ =	swait.ge @!p0 [sflag:s26], $0x100  }
0x31: {  	[sflag:s26] =	ssyncset.done @!p0 $0x0  }
0x32: {  	s29 =	rddreg [dreg:$0x6];
	[sflag:s26] =	ssyncadd.s32 @!p0 $0xFFFFFF00  }
0x33: {  	[tilespmem:s3], [sflag:$0x3] =	stream.linear.gather [hbm4b:s29+s3], $0x1400, $0x38;
	[tilespmem:$0x1E200] =	vst v63  }
0x34: {  	_ =	swait.ge [sflag:s6], $0x1400  }
0x35: {  	[sflag:s6] =	ssyncset.done $0x0  }
0x36: {  	[sflag:s6] =	ssyncadd.s32 $0xFFFFEC00  }
0x37: {  	[tilespmem:s9], [sflag:$0x3] =	stream.linear.gather [hbm4b:s11+s3], $0x1400, $0x38;
	[tilespmem:$0x1E200] =	vst v63  }
0x38: {  	_ =	swait.ge [sflag:s6], $0x1400  }
0x39: {  	[sflag:s6] =	ssyncset.done $0x0  }
0x3a: {  	[sflag:s6] =	ssyncadd.s32 $0xFFFFEC00  }
0x3b: {  	[bflag:$0x0] =	sbarrier.arrive $0xFFFF  }
0x3c: {  	[tilespmem:s12], [sflag:$0x1] =	stream.indirect.gather [hbm4b:s4+s10], $0x80, s3, s10, $0xb8;
	[tilespmem:$0x1E200] =	vst v63  }
0x3d: {  	_ = 	snop  }
0x3e: {  	[tilespmem:s16], [sflag:$0x2] =	stream.indirect.gather [hbm4b:s4+s10], $0x80, s10, s10, $0xb8;
	[tilespmem:$0x1E200] =	vst v63  }
0x3f: {  	_ =	swait.ge [sflag:s17], $0x4000  }
0x40: {  	[sflag:s17] =	ssyncset.done $0x0  }
0x41: {  	s29 =	simm.s32 $0x1400;
	[sflag:s17] =	ssyncadd.s32 $0xFFFFC000  }
0x42: {  	[spmem:s1] =	stream.indirect.scatter.add.f32 [tilespmem:s12], [sflag:$0x3], $0x80, s29, s10, $0xb8;
	[tilespmem:$0x1E200] =	vst v63  }
0x43: {  	_ =	swait.ge [sflag:s6], $0x4000  }
0x44: {  	[sflag:s6] =	ssyncset.done $0x0  }
0x45: {  	s29 =	simm.s32 $0x100;
	[sflag:s6] =	ssyncadd.s32 $0xFFFFC000  }
0x46: {  	[tilespmem:s12], [sflag:$0x1] =	stream.indirect.gather [hbm4b:s4+s10], $0x80, s29, s10, $0xb8;
	[tilespmem:$0x1E200] =	vst v63  }
0x47: {  	_ =	swait.ge [sflag:s5], $0x4000  }
0x48: {  	[sflag:s5] =	ssyncset.done $0x0  }
0x49: {  	s29 =	simm.s32 $0x1480;
	[sflag:s5] =	ssyncadd.s32 $0xFFFFC000  }
0x4a: {  	[spmem:s1] =	stream.indirect.scatter.add.f32 [tilespmem:s16], [sflag:$0x3], $0x80, s29, s10, $0xb8;
	[tilespmem:$0x1E200] =	vst v63  }
0x4b: {  	_ =	swait.ge [sflag:s6], $0x4000  }
0x4c: {  	[sflag:s6] =	ssyncset.done $0x0  }
0x4d: {  	s28 =	simm.s32 $0x180;
	s26 =	simm.s32 $0x400;
	[sflag:s6] =	ssyncadd.s32 $0xFFFFC000  }
.LBB2_2:
0x4e: {  	[tilespmem:s16], [sflag:$0x2] =	stream.indirect.gather [hbm4b:s4+s10], $0x80, s28, s10, $0xb8;
	[tilespmem:$0x1E200] =	vst v63  }
0x4f: {  	s28 =	smov.u32 s26  }
0x50: {  	p1 =	sne.s32 s26, $0x4800;
	s26 =	sadd.s32 $0x400, s26;
	_ =	swait.ge [sflag:s17], $0x4000  }
0x51: {  	s28 =	sshra.s32 s28, $0x2;
	[sflag:s17] =	ssyncset.done $0x0  }
0x52: {  	s29 =	sadd.s32 $0x1400, s28;
	[sflag:s17] =	ssyncadd.s32 $0xFFFFC000  }
0x53: {  	[spmem:s1] =	stream.indirect.scatter.add.f32 [tilespmem:s12], [sflag:$0x3], $0x80, s29, s10, $0xb8;
	[tilespmem:$0x1E200] =	vst v63  }
0x54: {  	_ =	swait.ge [sflag:s6], $0x4000  }
0x55: {  	[sflag:s6] =	ssyncset.done $0x0  }
0x56: {  	s29 =	sadd.s32 $0x100, s28;
	[sflag:s6] =	ssyncadd.s32 $0xFFFFC000  }
0x57: {  	[tilespmem:s12], [sflag:$0x1] =	stream.indirect.gather [hbm4b:s4+s10], $0x80, s29, s10, $0xb8;
	[tilespmem:$0x1E200] =	vst v63  }
0x58: {  	_ =	swait.ge [sflag:s5], $0x4000  }
0x59: {  	[sflag:s5] =	ssyncset.done $0x0  }
.Ltmp0:
0x5a: {  	s29 =	sadd.s32 $0x1480, s28;
	[sflag:s5] =	ssyncadd.s32 $0xFFFFC000;
	(pc) =	sbr.rel @p1 .LBB2_2-.Ltmp0, $4  }
0x5b: {  	[spmem:s1] =	stream.indirect.scatter.add.f32 [tilespmem:s16], [sflag:$0x3], $0x80, s29, s10, $0xb8;
	[tilespmem:$0x1E200] =	vst v63  }
0x5c: {  	_ =	swait.ge [sflag:s6], $0x4000  }
0x5d: {  	[sflag:s6] =	ssyncset.done $0x0  }
0x5e: {  	s28 =	sadd.s32 $0x180, s28;
	[sflag:s6] =	ssyncadd.s32 $0xFFFFC000  }
0x5f: {  	[tilespmem:s16], [sflag:$0x2] =	stream.indirect.gather [hbm4b:s4+s10], $0x80, s28, s10, $0xb8;
	[tilespmem:$0x1E200] =	vst v63  }
0x60: {  	_ =	swait.ge [sflag:s17], $0x4000  }
0x61: {  	[sflag:s17] =	ssyncset.done $0x0  }
0x62: {  	[sflag:s17] =	ssyncadd.s32 $0xFFFFC000  }
0x63: {  	[spmem:s1] =	stream.indirect.scatter.add.f32 [tilespmem:s12], [sflag:$0x3], $0x80, s18, s10, $0xb8;
	[tilespmem:$0x1E200] =	vst v63  }
0x64: {  	_ =	swait.ge [sflag:s6], $0x4000  }
0x65: {  	[sflag:s6] =	ssyncset.done $0x0  }
0x66: {  	[sflag:s6] =	ssyncadd.s32 $0xFFFFC000  }
0x67: {  	_ =	swait.ge [sflag:s5], $0x4000  }
0x68: {  	[sflag:s5] =	ssyncset.done $0x0  }
0x69: {  	[sflag:s5] =	ssyncadd.s32 $0xFFFFC000  }
0x6a: {  	[spmem:s1] =	stream.indirect.scatter.add.f32 [tilespmem:s16], [sflag:$0x3], $0x80, s19, s10, $0xb8;
	[tilespmem:$0x1E200] =	vst v63  }
0x6b: {  	_ =	swait.ge [sflag:s6], $0x4000  }
0x6c: {  	[sflag:s6] =	ssyncset.done $0x0  }
0x6d: {  	s26 =	simm.s32 $0x0;
	s28 =	rddreg [dreg:$0x7];
	[sflag:s6] =	ssyncadd.s32 $0xFFFFC000  }
0x6e: {  	[tilespmem:s26], [sflag:$0x3] =	stream.linear.gather [hbm4b:s28+s26], $0x1400, $0x38;
	[tilespmem:$0x1E200] =	vst v63  }
0x6f: {  	_ =	swait.ge [sflag:s6], $0x1400  }
0x70: {  	[sflag:s6] =	ssyncset.done $0x0  }
0x71: {  	[sflag:s6] =	ssyncadd.s32 $0xFFFFEC00  }
0x72: {  	[tilespmem:s9], [sflag:$0x3] =	stream.linear.gather [hbm4b:s13+s26], $0x1400, $0x38;
	[tilespmem:$0x1E200] =	vst v63  }
0x73: {  	_ =	swait.ge [sflag:s6], $0x1400  }
0x74: {  	[sflag:s6] =	ssyncset.done $0x0  }
0x75: {  	[sflag:s6] =	ssyncadd.s32 $0xFFFFEC00  }
0x76: {  	[tilespmem:s12], [sflag:$0x1] =	stream.indirect.gather [hbm4b:s4+s10], $0x80, s26, s10, $0xb8;
	[tilespmem:$0x1E200] =	vst v63  }
0x77: {  	_ = 	snop  }
0x78: {  	[tilespmem:s16], [sflag:$0x2] =	stream.indirect.gather [hbm4b:s4+s10], $0x80, s10, s10, $0xb8;
	[tilespmem:$0x1E200] =	vst v63  }
0x79: {  	_ =	swait.ge [sflag:s17], $0x4000  }
0x7a: {  	[sflag:s17] =	ssyncset.done $0x0  }
0x7b: {  	s29 =	simm.s32 $0x1400;
	[sflag:s17] =	ssyncadd.s32 $0xFFFFC000  }
0x7c: {  	[spmem:s1] =	stream.indirect.scatter.add.f32 [tilespmem:s12], [sflag:$0x3], $0x80, s29, s10, $0xb8;
	[tilespmem:$0x1E200] =	vst v63  }
0x7d: {  	_ =	swait.ge [sflag:s6], $0x4000  }
0x7e: {  	[sflag:s6] =	ssyncset.done $0x0  }
0x7f: {  	s29 =	simm.s32 $0x100;
	[sflag:s6] =	ssyncadd.s32 $0xFFFFC000  }
0x80: {  	[tilespmem:s12], [sflag:$0x1] =	stream.indirect.gather [hbm4b:s4+s10], $0x80, s29, s10, $0xb8;
	[tilespmem:$0x1E200] =	vst v63  }
0x81: {  	_ =	swait.ge [sflag:s5], $0x4000  }
0x82: {  	[sflag:s5] =	ssyncset.done $0x0  }
0x83: {  	s29 =	simm.s32 $0x1480;
	[sflag:s5] =	ssyncadd.s32 $0xFFFFC000  }
0x84: {  	[spmem:s1] =	stream.indirect.scatter.add.f32 [tilespmem:s16], [sflag:$0x3], $0x80, s29, s10, $0xb8;
	[tilespmem:$0x1E200] =	vst v63  }
0x85: {  	_ =	swait.ge [sflag:s6], $0x4000  }
0x86: {  	[sflag:s6] =	ssyncset.done $0x0  }
0x87: {  	s28 =	simm.s32 $0x180;
	s26 =	simm.s32 $0x400;
	[sflag:s6] =	ssyncadd.s32 $0xFFFFC000  }
.LBB2_4:
0x88: {  	[tilespmem:s16], [sflag:$0x2] =	stream.indirect.gather [hbm4b:s4+s10], $0x80, s28, s10, $0xb8;
	[tilespmem:$0x1E200] =	vst v63  }
0x89: {  	s28 =	smov.u32 s26  }
0x8a: {  	p1 =	sne.s32 s26, $0x4800;
	s26 =	sadd.s32 $0x400, s26;
	_ =	swait.ge [sflag:s17], $0x4000  }
0x8b: {  	s28 =	sshra.s32 s28, $0x2;
	[sflag:s17] =	ssyncset.done $0x0  }
0x8c: {  	s29 =	sadd.s32 $0x1400, s28;
	[sflag:s17] =	ssyncadd.s32 $0xFFFFC000  }
0x8d: {  	[spmem:s1] =	stream.indirect.scatter.add.f32 [tilespmem:s12], [sflag:$0x3], $0x80, s29, s10, $0xb8;
	[tilespmem:$0x1E200] =	vst v63  }
0x8e: {  	_ =	swait.ge [sflag:s6], $0x4000  }
0x8f: {  	[sflag:s6] =	ssyncset.done $0x0  }
0x90: {  	s29 =	sadd.s32 $0x100, s28;
	[sflag:s6] =	ssyncadd.s32 $0xFFFFC000  }
0x91: {  	[tilespmem:s12], [sflag:$0x1] =	stream.indirect.gather [hbm4b:s4+s10], $0x80, s29, s10, $0xb8;
	[tilespmem:$0x1E200] =	vst v63  }
0x92: {  	_ =	swait.ge [sflag:s5], $0x4000  }
0x93: {  	[sflag:s5] =	ssyncset.done $0x0  }
.Ltmp1:
0x94: {  	s29 =	sadd.s32 $0x1480, s28;
	[sflag:s5] =	ssyncadd.s32 $0xFFFFC000;
	(pc) =	sbr.rel @p1 .LBB2_4-.Ltmp1, $4  }
0x95: {  	[spmem:s1] =	stream.indirect.scatter.add.f32 [tilespmem:s16], [sflag:$0x3], $0x80, s29, s10, $0xb8;
	[tilespmem:$0x1E200] =	vst v63  }
0x96: {  	_ =	swait.ge [sflag:s6], $0x4000  }
0x97: {  	[sflag:s6] =	ssyncset.done $0x0  }
0x98: {  	s28 =	sadd.s32 $0x180, s28;
	[sflag:s6] =	ssyncadd.s32 $0xFFFFC000  }
0x99: {  	[tilespmem:s16], [sflag:$0x2] =	stream.indirect.gather [hbm4b:s4+s10], $0x80, s28, s10, $0xb8;
	[tilespmem:$0x1E200] =	vst v63  }
0x9a: {  	_ =	swait.ge [sflag:s17], $0x4000  }
0x9b: {  	[sflag:s17] =	ssyncset.done $0x0  }
0x9c: {  	[sflag:s17] =	ssyncadd.s32 $0xFFFFC000  }
0x9d: {  	[spmem:s1] =	stream.indirect.scatter.add.f32 [tilespmem:s12], [sflag:$0x3], $0x80, s18, s10, $0xb8;
	[tilespmem:$0x1E200] =	vst v63  }
0x9e: {  	_ =	swait.ge [sflag:s6], $0x4000  }
0x9f: {  	[sflag:s6] =	ssyncset.done $0x0  }
0xa0: {  	[sflag:s6] =	ssyncadd.s32 $0xFFFFC000  }
0xa1: {  	_ =	swait.ge [sflag:s5], $0x4000  }
0xa2: {  	[sflag:s5] =	ssyncset.done $0x0  }
0xa3: {  	[sflag:s5] =	ssyncadd.s32 $0xFFFFC000  }
0xa4: {  	[spmem:s1] =	stream.indirect.scatter.add.f32 [tilespmem:s16], [sflag:$0x3], $0x80, s19, s10, $0xb8;
	[tilespmem:$0x1E200] =	vst v63  }
0xa5: {  	_ =	swait.ge [sflag:s6], $0x4000  }
0xa6: {  	[sflag:s6] =	ssyncset.done $0x0  }
0xa7: {  	[sflag:s6] =	ssyncadd.s32 $0xFFFFC000  }
0xa8: {  	s26 =	sor.u32 $0x1C01, s7;
	[bflag:$0x0] =	sbarrier.arrive $0xFFFF  }
0xa9: {  	[hbm:s14], [sflag:s26] =	dma.local [spmem:s21], $0xA00  }
0xaa: {  	_ =	swait.ge [sflag:s17], $0xA00  }
0xab: {  	[sflag:s17] =	ssyncset.done $0x0  }
0xac: {  	s28 =	rddreg [dreg:$0x10];
	[sflag:s17] =	ssyncadd.s32 $0xFFFFF600  }
0xad: {  	[hbm:s28], [sflag:s26] =	dma.local [spmem:s23], $0xA00  }
0xae: {  	s28 =	sor.u32 $0x1C02, s7  }
0xaf: {  	[spmem:s21], [sflag:s28] =	dma.local [hbm:s15], $0xA00  }
0xb0: {  	_ =	swait.ge [sflag:s17], $0xA00  }
0xb1: {  	[sflag:s17] =	ssyncset.done $0x0  }
0xb2: {  	s29 =	rddreg [dreg:$0x11];
	[sflag:s17] =	ssyncadd.s32 $0xFFFFF600  }
0xb3: {  	[hbm:s29], [sflag:s26] =	dma.local [spmem:s24], $0xA00  }
0xb4: {  	[spmem:s23], [sflag:s28] =	dma.local [hbm:s30], $0xA00  }
0xb5: {  	_ =	swait.ge [sflag:s17], $0xA00  }
0xb6: {  	[sflag:s17] =	ssyncset.done $0x0  }
0xb7: {  	[sflag:s17] =	ssyncadd.s32 $0xFFFFF600  }
0xb8: {  	[hbm:s31], [sflag:s26] =	dma.local [spmem:s25], $0x900  }
0xb9: {  	[spmem:s24], [sflag:s28] =	dma.local [hbm:s0], $0xA00  }
0xba: {  	_ =	swait.ge [sflag:s17], $0x900  }
0xbb: {  	[sflag:s17] =	ssyncset.done $0x0  }
0xbc: {  	[sflag:s17] =	ssyncadd.s32 $0xFFFFF700  }
0xbd: {  	[spmem:s25], [sflag:s28] =	dma.local [hbm:s2], $0x900  }
0xbe: {  	s26 =	rddreg [dreg:$0xb]  }
0xbf: {  	[hbm:s26], [sflag:s8] =	dma.local @!p0 [spmem:s22], $0x100  }
0xc0: {  	s26 =	simm.s32 @!p0 $0x3  }
0xc1: {  	_ =	swait.ge @!p0 [sflag:s26], $0x100  }
0xc2: {  	[sflag:s26] =	ssyncset.done @!p0 $0x0  }
0xc3: {  	s28 =	rddreg [dreg:$0xc];
	[sflag:s26] =	ssyncadd.s32 @!p0 $0xFFFFFF00  }
0xc4: {  	[spmem:s22], [sflag:s8] =	dma.local @!p0 [hbm:s28], $0x100  }
0xc5: {  	_ =	swait.ge @!p0 [sflag:s26], $0x100  }
0xc6: {  	[sflag:s26] =	ssyncset.done @!p0 $0x0  }
0xc7: {  	[sflag:s26] =	ssyncadd.s32 @!p0 $0xFFFFFF00  }
0xc8: {  	_ =	swait.ge [sflag:s5], $0xA00  }
0xc9: {  	[sflag:s5] =	ssyncset.done $0x0  }
0xca: {  	[sflag:s5] =	ssyncadd.s32 $0xFFFFF600  }
0xcb: {  	_ =	swait.ge [sflag:s5], $0xA00  }
0xcc: {  	[sflag:s5] =	ssyncset.done $0x0  }
0xcd: {  	[sflag:s5] =	ssyncadd.s32 $0xFFFFF600  }
0xce: {  	_ =	swait.ge [sflag:s5], $0xA00  }
0xcf: {  	[sflag:s5] =	ssyncset.done $0x0  }
0xd0: {  	[sflag:s5] =	ssyncadd.s32 $0xFFFFF600  }
0xd1: {  	_ =	swait.ge [sflag:s5], $0x900  }
0xd2: {  	[sflag:s5] =	ssyncset.done $0x0  }
0xd3: {  	[sflag:s5] =	ssyncadd.s32 $0xFFFFF700  }
0xd4: {  	[bflag:$0x0] =	sbarrier.arrive $0xFFFF  }
0xd5: {  	s29 =	simm.s32 $0x0;
	s28 =	rddreg [dreg:$0x8]  }
0xd6: {  	[tilespmem:s29], [sflag:$0x3] =	stream.linear.gather [hbm4b:s28+s29], $0x1400, $0x38;
	[tilespmem:$0x1E200] =	vst v63  }
0xd7: {  	_ =	swait.ge [sflag:s6], $0x1400  }
0xd8: {  	[sflag:s6] =	ssyncset.done $0x0  }
0xd9: {  	[sflag:s6] =	ssyncadd.s32 $0xFFFFEC00  }
0xda: {  	[tilespmem:s9], [sflag:$0x3] =	stream.linear.gather [hbm4b:s11+s29], $0x1400, $0x38;
	[tilespmem:$0x1E200] =	vst v63  }
0xdb: {  	_ =	swait.ge [sflag:s6], $0x1400  }
0xdc: {  	[sflag:s6] =	ssyncset.done $0x0  }
0xdd: {  	[sflag:s6] =	ssyncadd.s32 $0xFFFFEC00  }
0xde: {  	[bflag:$0x0] =	sbarrier.arrive $0xFFFF  }
0xdf: {  	[tilespmem:s12], [sflag:$0x1] =	stream.indirect.gather [hbm4b:s4+s10], $0x80, s29, s10, $0xb8;
	[tilespmem:$0x1E200] =	vst v63  }
0xe0: {  	_ = 	snop  }
0xe1: {  	[tilespmem:s16], [sflag:$0x2] =	stream.indirect.gather [hbm4b:s4+s10], $0x80, s10, s10, $0xb8;
	[tilespmem:$0x1E200] =	vst v63  }
0xe2: {  	_ =	swait.ge [sflag:s17], $0x4000  }
0xe3: {  	[sflag:s17] =	ssyncset.done $0x0  }
0xe4: {  	s29 =	simm.s32 $0x1400;
	[sflag:s17] =	ssyncadd.s32 $0xFFFFC000  }
0xe5: {  	[spmem:s1] =	stream.indirect.scatter.add.f32 [tilespmem:s12], [sflag:$0x3], $0x80, s29, s10, $0xb8;
	[tilespmem:$0x1E200] =	vst v63  }
0xe6: {  	_ =	swait.ge [sflag:s6], $0x4000  }
0xe7: {  	[sflag:s6] =	ssyncset.done $0x0  }
0xe8: {  	s29 =	simm.s32 $0x100;
	[sflag:s6] =	ssyncadd.s32 $0xFFFFC000  }
0xe9: {  	[tilespmem:s12], [sflag:$0x1] =	stream.indirect.gather [hbm4b:s4+s10], $0x80, s29, s10, $0xb8;
	[tilespmem:$0x1E200] =	vst v63  }
0xea: {  	_ =	swait.ge [sflag:s5], $0x4000  }
0xeb: {  	[sflag:s5] =	ssyncset.done $0x0  }
0xec: {  	s29 =	simm.s32 $0x1480;
	[sflag:s5] =	ssyncadd.s32 $0xFFFFC000  }
0xed: {  	[spmem:s1] =	stream.indirect.scatter.add.f32 [tilespmem:s16], [sflag:$0x3], $0x80, s29, s10, $0xb8;
	[tilespmem:$0x1E200] =	vst v63  }
0xee: {  	_ =	swait.ge [sflag:s6], $0x4000  }
0xef: {  	[sflag:s6] =	ssyncset.done $0x0  }
0xf0: {  	s26 =	simm.s32 $0x400;
	s28 =	simm.s32 $0x180;
	[sflag:s6] =	ssyncadd.s32 $0xFFFFC000  }
.LBB2_6:
0xf1: {  	[tilespmem:s16], [sflag:$0x2] =	stream.indirect.gather [hbm4b:s4+s10], $0x80, s28, s10, $0xb8;
	[tilespmem:$0x1E200] =	vst v63  }
0xf2: {  	s28 =	smov.u32 s26  }
0xf3: {  	p1 =	sne.s32 s26, $0x4800;
	s26 =	sadd.s32 $0x400, s26;
	_ =	swait.ge [sflag:s17], $0x4000  }
0xf4: {  	s28 =	sshra.s32 s28, $0x2;
	[sflag:s17] =	ssyncset.done $0x0  }
0xf5: {  	s29 =	sadd.s32 $0x1400, s28;
	[sflag:s17] =	ssyncadd.s32 $0xFFFFC000  }
0xf6: {  	[spmem:s1] =	stream.indirect.scatter.add.f32 [tilespmem:s12], [sflag:$0x3], $0x80, s29, s10, $0xb8;
	[tilespmem:$0x1E200] =	vst v63  }
0xf7: {  	_ =	swait.ge [sflag:s6], $0x4000  }
0xf8: {  	[sflag:s6] =	ssyncset.done $0x0  }
0xf9: {  	s29 =	sadd.s32 $0x100, s28;
	[sflag:s6] =	ssyncadd.s32 $0xFFFFC000  }
0xfa: {  	[tilespmem:s12], [sflag:$0x1] =	stream.indirect.gather [hbm4b:s4+s10], $0x80, s29, s10, $0xb8;
	[tilespmem:$0x1E200] =	vst v63  }
0xfb: {  	_ =	swait.ge [sflag:s5], $0x4000  }
0xfc: {  	[sflag:s5] =	ssyncset.done $0x0  }
.Ltmp2:
0xfd: {  	s29 =	sadd.s32 $0x1480, s28;
	[sflag:s5] =	ssyncadd.s32 $0xFFFFC000;
	(pc) =	sbr.rel @p1 .LBB2_6-.Ltmp2, $4  }
0xfe: {  	[spmem:s1] =	stream.indirect.scatter.add.f32 [tilespmem:s16], [sflag:$0x3], $0x80, s29, s10, $0xb8;
	[tilespmem:$0x1E200] =	vst v63  }
0xff: {  	_ =	swait.ge [sflag:s6], $0x4000  }
0x100: {  	[sflag:s6] =	ssyncset.done $0x0  }
0x101: {  	s28 =	sadd.s32 $0x180, s28;
	[sflag:s6] =	ssyncadd.s32 $0xFFFFC000  }
0x102: {  	[tilespmem:s16], [sflag:$0x2] =	stream.indirect.gather [hbm4b:s4+s10], $0x80, s28, s10, $0xb8;
	[tilespmem:$0x1E200] =	vst v63  }
0x103: {  	_ =	swait.ge [sflag:s17], $0x4000  }
0x104: {  	[sflag:s17] =	ssyncset.done $0x0  }
0x105: {  	[sflag:s17] =	ssyncadd.s32 $0xFFFFC000  }
0x106: {  	[spmem:s1] =	stream.indirect.scatter.add.f32 [tilespmem:s12], [sflag:$0x3], $0x80, s18, s10, $0xb8;
	[tilespmem:$0x1E200] =	vst v63  }
0x107: {  	_ =	swait.ge [sflag:s6], $0x4000  }
0x108: {  	[sflag:s6] =	ssyncset.done $0x0  }
0x109: {  	[sflag:s6] =	ssyncadd.s32 $0xFFFFC000  }
0x10a: {  	_ =	swait.ge [sflag:s5], $0x4000  }
0x10b: {  	[sflag:s5] =	ssyncset.done $0x0  }
0x10c: {  	[sflag:s5] =	ssyncadd.s32 $0xFFFFC000  }
0x10d: {  	[spmem:s1] =	stream.indirect.scatter.add.f32 [tilespmem:s16], [sflag:$0x3], $0x80, s19, s10, $0xb8;
	[tilespmem:$0x1E200] =	vst v63  }
0x10e: {  	_ =	swait.ge [sflag:s6], $0x4000  }
0x10f: {  	[sflag:s6] =	ssyncset.done $0x0  }
0x110: {  	s26 =	simm.s32 $0x0;
	s28 =	rddreg [dreg:$0x9];
	[sflag:s6] =	ssyncadd.s32 $0xFFFFC000  }
0x111: {  	[tilespmem:s26], [sflag:$0x3] =	stream.linear.gather [hbm4b:s28+s26], $0x1400, $0x38;
	[tilespmem:$0x1E200] =	vst v63  }
0x112: {  	_ =	swait.ge [sflag:s6], $0x1400  }
0x113: {  	[sflag:s6] =	ssyncset.done $0x0  }
0x114: {  	[sflag:s6] =	ssyncadd.s32 $0xFFFFEC00  }
0x115: {  	[tilespmem:s9], [sflag:$0x3] =	stream.linear.gather [hbm4b:s13+s26], $0x1400, $0x38;
	[tilespmem:$0x1E200] =	vst v63  }
0x116: {  	_ =	swait.ge [sflag:s6], $0x1400  }
0x117: {  	[sflag:s6] =	ssyncset.done $0x0  }
0x118: {  	[sflag:s6] =	ssyncadd.s32 $0xFFFFEC00  }
0x119: {  	[tilespmem:s12], [sflag:$0x1] =	stream.indirect.gather [hbm4b:s4+s10], $0x80, s26, s10, $0xb8;
	[tilespmem:$0x1E200] =	vst v63  }
0x11a: {  	_ = 	snop  }
0x11b: {  	[tilespmem:s16], [sflag:$0x2] =	stream.indirect.gather [hbm4b:s4+s10], $0x80, s10, s10, $0xb8;
	[tilespmem:$0x1E200] =	vst v63  }
0x11c: {  	_ =	swait.ge [sflag:s17], $0x4000  }
0x11d: {  	[sflag:s17] =	ssyncset.done $0x0  }
0x11e: {  	s29 =	simm.s32 $0x1400;
	[sflag:s17] =	ssyncadd.s32 $0xFFFFC000  }
0x11f: {  	[spmem:s1] =	stream.indirect.scatter.add.f32 [tilespmem:s12], [sflag:$0x3], $0x80, s29, s10, $0xb8;
	[tilespmem:$0x1E200] =	vst v63  }
0x120: {  	_ =	swait.ge [sflag:s6], $0x4000  }
0x121: {  	[sflag:s6] =	ssyncset.done $0x0  }
0x122: {  	s29 =	simm.s32 $0x100;
	[sflag:s6] =	ssyncadd.s32 $0xFFFFC000  }
0x123: {  	[tilespmem:s12], [sflag:$0x1] =	stream.indirect.gather [hbm4b:s4+s10], $0x80, s29, s10, $0xb8;
	[tilespmem:$0x1E200] =	vst v63  }
0x124: {  	_ =	swait.ge [sflag:s5], $0x4000  }
0x125: {  	[sflag:s5] =	ssyncset.done $0x0  }
0x126: {  	s29 =	simm.s32 $0x1480;
	[sflag:s5] =	ssyncadd.s32 $0xFFFFC000  }
0x127: {  	[spmem:s1] =	stream.indirect.scatter.add.f32 [tilespmem:s16], [sflag:$0x3], $0x80, s29, s10, $0xb8;
	[tilespmem:$0x1E200] =	vst v63  }
0x128: {  	_ =	swait.ge [sflag:s6], $0x4000  }
0x129: {  	[sflag:s6] =	ssyncset.done $0x0  }
0x12a: {  	s28 =	simm.s32 $0x180;
	s26 =	simm.s32 $0x400;
	[sflag:s6] =	ssyncadd.s32 $0xFFFFC000  }
.LBB2_8:
0x12b: {  	[tilespmem:s16], [sflag:$0x2] =	stream.indirect.gather [hbm4b:s4+s10], $0x80, s28, s10, $0xb8;
	[tilespmem:$0x1E200] =	vst v63  }
0x12c: {  	s28 =	smov.u32 s26  }
0x12d: {  	p1 =	sne.s32 s26, $0x4800;
	s26 =	sadd.s32 $0x400, s26;
	_ =	swait.ge [sflag:s17], $0x4000  }
0x12e: {  	s28 =	sshra.s32 s28, $0x2;
	[sflag:s17] =	ssyncset.done $0x0  }
0x12f: {  	s29 =	sadd.s32 $0x1400, s28;
	[sflag:s17] =	ssyncadd.s32 $0xFFFFC000  }
0x130: {  	[spmem:s1] =	stream.indirect.scatter.add.f32 [tilespmem:s12], [sflag:$0x3], $0x80, s29, s10, $0xb8;
	[tilespmem:$0x1E200] =	vst v63  }
0x131: {  	_ =	swait.ge [sflag:s6], $0x4000  }
0x132: {  	[sflag:s6] =	ssyncset.done $0x0  }
0x133: {  	s29 =	sadd.s32 $0x100, s28;
	[sflag:s6] =	ssyncadd.s32 $0xFFFFC000  }
0x134: {  	[tilespmem:s12], [sflag:$0x1] =	stream.indirect.gather [hbm4b:s4+s10], $0x80, s29, s10, $0xb8;
	[tilespmem:$0x1E200] =	vst v63  }
0x135: {  	_ =	swait.ge [sflag:s5], $0x4000  }
0x136: {  	[sflag:s5] =	ssyncset.done $0x0  }
.Ltmp3:
0x137: {  	s29 =	sadd.s32 $0x1480, s28;
	[sflag:s5] =	ssyncadd.s32 $0xFFFFC000;
	(pc) =	sbr.rel @p1 .LBB2_8-.Ltmp3, $4  }
0x138: {  	[spmem:s1] =	stream.indirect.scatter.add.f32 [tilespmem:s16], [sflag:$0x3], $0x80, s29, s10, $0xb8;
	[tilespmem:$0x1E200] =	vst v63  }
0x139: {  	_ =	swait.ge [sflag:s6], $0x4000  }
0x13a: {  	[sflag:s6] =	ssyncset.done $0x0  }
0x13b: {  	s28 =	sadd.s32 $0x180, s28;
	[sflag:s6] =	ssyncadd.s32 $0xFFFFC000  }
0x13c: {  	[tilespmem:s16], [sflag:$0x2] =	stream.indirect.gather [hbm4b:s4+s10], $0x80, s28, s10, $0xb8;
	[tilespmem:$0x1E200] =	vst v63  }
0x13d: {  	_ =	swait.ge [sflag:s17], $0x4000  }
0x13e: {  	[sflag:s17] =	ssyncset.done $0x0  }
0x13f: {  	[sflag:s17] =	ssyncadd.s32 $0xFFFFC000  }
0x140: {  	[spmem:s1] =	stream.indirect.scatter.add.f32 [tilespmem:s12], [sflag:$0x3], $0x80, s18, s10, $0xb8;
	[tilespmem:$0x1E200] =	vst v63  }
0x141: {  	_ =	swait.ge [sflag:s6], $0x4000  }
0x142: {  	[sflag:s6] =	ssyncset.done $0x0  }
0x143: {  	[sflag:s6] =	ssyncadd.s32 $0xFFFFC000  }
0x144: {  	_ =	swait.ge [sflag:s5], $0x4000  }
0x145: {  	[sflag:s5] =	ssyncset.done $0x0  }
0x146: {  	[sflag:s5] =	ssyncadd.s32 $0xFFFFC000  }
0x147: {  	[spmem:s1] =	stream.indirect.scatter.add.f32 [tilespmem:s16], [sflag:$0x3], $0x80, s19, s10, $0xb8;
	[tilespmem:$0x1E200] =	vst v63  }
0x148: {  	_ =	swait.ge [sflag:s6], $0x4000  }
0x149: {  	[sflag:s6] =	ssyncset.done $0x0  }
0x14a: {  	[sflag:s6] =	ssyncadd.s32 $0xFFFFC000  }
0x14b: {  	[bflag:$0x0] =	sbarrier.arrive $0xFFFF  }
0x14c: {  	s26 =	rddreg [dreg:$0xa]  }
0x14d: {  	[hbm:s26], [sflag:s8] =	dma.local [spmem:s21], $0x2700  }
0x14e: {  	_ =	swait.ge [sflag:s6], $0x2700  }
0x14f: {  	[sflag:s6] =	ssyncset.done $0x0  }
0x150: {  	s21 =	rddreg [dreg:$0xd];
	[sflag:s6] =	ssyncadd.s32 $0xFFFFD900  }
0x151: {  	[hbm:s21], [sflag:s8] =	dma.local @!p0 [spmem:s22], $0x100  }
0x152: {  	s21 =	simm.s32 @!p0 $0x3  }
0x153: {  	_ =	swait.ge @!p0 [sflag:s21], $0x100  }
0x154: {  	s20 =	sadd.s32 $0x1, s20;
	s29 =	rddreg [dreg:$0xe]  }
0x155: {  	p1 =	sne.s32 s20, s29  }
.Ltmp4:
0x156: {  	_ = 	snop;
	(pc) =	sbr.rel @p1 .LBB2_1-.Ltmp4, $3  }
0x157: {  	_ =	sdelay $0x1  }
0x158: {  	[sflag:s21] =	ssyncset.done @!p0 $0x0  }
0x159: {  	[sflag:s21] =	ssyncadd.s32 @!p0 $0xFFFFFF00  }
0x15a: {  	_ =	sfence.sel $0x180000  }
0x15b: {  	[bflag:$0x0] =	sbarrier.arrive $0xFFFF  }
0x15c: {  	_ =	strace $0x90000047  }
0x15d: {  	s0 =	stileid.u32;
	[bflag:$0x2] =	sbarrier.arrive $0xFFFF  }
0x15e: {  	p0 =	sne.s32 s0, $0x0;
	s0 =	rddreg [dreg:$0x2]  }
0x15f: {  	s0 =	sadd.s32 @!p0 $0x100000, s0  }
0x160: {  	[sflag:s0] =	ssyncadd.tile.s32 @!p0 $0x1;
	_ =	shalt  }
.Lfunc_end2:
_tile_overlayer_lowered:
.L_overlay_start_2:
0x161: {  	(tag) =	ssettag $0x2  }
0x162: {  	s0 =	rddreg [dreg:$0x0];
	s2 =	stileid.u32  }
0x163: {  	s1 =	rddreg [dreg:$0x1];
	p0 =	sne.s32 s2, $0x0  }
0x164: {  	s3 =	rddreg [dreg:$0x2];
	[bflag:$0x3] =	sbarrier.arrive $0xFFFF;
	s2 =	simm.s32 @!p0 $0x1C03  }
0x165: {  	[timem:s3], [sflag:s2] =	dma.local @!p0 [hbm:s0], s1  }
0x166: {  	s0 =	simm.s32 @!p0 $0x3  }
0x167: {  	_ =	swait.ge @!p0 [sflag:s0], s1  }
0x168: {  	s1 =	ssub.s32 @!p0 $0x0, s1;
	[sflag:s0] =	ssyncset.done @!p0 $0x0  }
0x169: {  	[sflag:s0] =	ssyncadd.s32 @!p0 s1  }
0x16a: {  	[bflag:$0x3] =	sbarrier.arrive $0xFFFF  }
0x16b: {  	_ =	shalt  }

</sc_bundles>
